<compile_context>
chip_gen: v7x
topology: tpu7x:2x2x1
jax: 0.10.2.dev20260603
libtpu: 0.0.44.dev20260713+nightly
codegen_flags: <defaults>
</compile_context>

<pallas_src>
import functools

import jax
import jax.numpy as jnp
from jax import lax
from jax.experimental import pallas as pl
from jax.experimental.pallas import tpu as pltpu
from jax.experimental.pallas import tpu_sc as plsc

N_NODES = 10000
D = 128
NEG_SLOPE = 0.2

N_PAD = 10240
DW = 144
N_CORES = 2
N_SUBCORES = 16
NW = N_CORES * N_SUBCORES
EDGES_PER_W = 10368
E_PAD = NW * EDGES_PER_W
CHUNK = 128
N_CHUNKS = EDGES_PER_W // CHUNK
ROWS_PER_TILE = N_PAD // N_SUBCORES
COPY_BLK = 64


def _pre_body(x_ref, w_ref, asv_ref, adv_ref, hext_ref, asrc_ref, adst_ref):
    h = jnp.dot(x_ref[...], w_ref[...], preferred_element_type=jnp.float32)
    ones = jnp.ones((N_PAD, 1), jnp.float32)
    zeros = jnp.zeros((N_PAD, DW - D - 1), jnp.float32)
    hext_ref[...] = jnp.concatenate([h, ones, zeros], axis=1)
    asrc_ref[...] = jnp.sum(h * asv_ref[...], axis=1)
    adst_ref[...] = jnp.sum(h * adv_ref[...], axis=1)


def _pre(xp, W, att_src, att_dst):
    return pl.pallas_call(
        _pre_body,
        out_shape=(
            jax.ShapeDtypeStruct((N_PAD, DW), jnp.float32),
            jax.ShapeDtypeStruct((N_PAD,), jnp.float32),
            jax.ShapeDtypeStruct((N_PAD,), jnp.float32),
        ),
    )(xp, W, att_src, att_dst)


_mesh = plsc.VectorSubcoreMesh(core_axis_name="c", subcore_axis_name="s")


@functools.partial(
    pl.kernel,
    mesh=_mesh,
    compiler_params=pltpu.CompilerParams(use_tc_tiling_on_sc=False),
    out_type=jax.ShapeDtypeStruct((N_CORES, N_PAD, DW), jnp.float32),
    scratch_types=[
        pltpu.VMEM((CHUNK,), jnp.float32),
        pltpu.VMEM((CHUNK,), jnp.float32),
        pltpu.VMEM((CHUNK,), jnp.int32),
        pltpu.VMEM((CHUNK,), jnp.int32),
        pltpu.VMEM((CHUNK,), jnp.float32),
        pltpu.VMEM((CHUNK, DW), jnp.float32),
        pltpu.VMEM((COPY_BLK, DW), jnp.float32),
        pltpu.VMEM_SHARED((N_PAD, DW), jnp.float32),
        pltpu.SemaphoreType.DMA,
        pltpu.SemaphoreType.DMA,
        pltpu.SemaphoreType.DMA,
    ],
)
def _sc_edges(hext, asrc, adst, src_ids, dst_ids, out,
              asv, adv, srcb, dstb, wb, rows, tmp, acc, sem, sem2, sem3):
    c = lax.axis_index("c")
    s = lax.axis_index("s")
    wid = c * N_SUBCORES + s
    row0 = s * ROWS_PER_TILE

    zero16 = jnp.zeros((16,), jnp.float32)

    def zrow(r, carry):
        for j in range(DW // 16):
            tmp[r, pl.ds(j * 16, 16)] = zero16
        return carry

    lax.fori_loop(0, COPY_BLK, zrow, 0)

    def zblk(b, carry):
        pltpu.sync_copy(tmp, acc.at[pl.ds(row0 + b * COPY_BLK, COPY_BLK)])
        return carry

    lax.fori_loop(0, ROWS_PER_TILE // COPY_BLK, zblk, 0)
    plsc.subcore_barrier()

    ebase = wid * EDGES_PER_W

    def chunk_body(g, carry):
        cb = ebase + g * CHUNK
        pltpu.sync_copy(src_ids.at[pl.ds(cb, CHUNK)], srcb)
        pltpu.sync_copy(dst_ids.at[pl.ds(cb, CHUNK)], dstb)
        gcopy = pltpu.async_copy(hext.at[srcb], rows, sem)
        acopy = pltpu.async_copy(asrc.at[srcb], asv, sem2)
        bcopy = pltpu.async_copy(adst.at[dstb], adv, sem3)
        acopy.wait()
        bcopy.wait()
        for gg in range(CHUNK // 16):
            a = asv[pl.ds(gg * 16, 16)] + adv[pl.ds(gg * 16, 16)]
            a = jnp.where(a > 0, a, NEG_SLOPE * a)
            wb[pl.ds(gg * 16, 16)] = jnp.exp(a)
        gcopy.wait()

        def scale_row(r, carry2):
            base = pl.multiple_of((r // 16) * 16, 16)
            wvec = wb[pl.ds(base, 16)]
            lane = jnp.zeros((16,), jnp.int32) + (r % 16)
            w16 = lax.gather(
                wvec, lane[:, None],
                lax.GatherDimensionNumbers(offset_dims=(),
                                           collapsed_slice_dims=(0,),
                                           start_index_map=(0,)),
                (1,), mode=lax.GatherScatterMode.PROMISE_IN_BOUNDS)
            for j in range(DW // 16):
                rows[r, pl.ds(j * 16, 16)] = rows[r, pl.ds(j * 16, 16)] * w16
            return carry2

        lax.fori_loop(0, CHUNK, scale_row, 0)
        pltpu.sync_copy(rows, acc.at[dstb], add=True)
        return carry

    lax.fori_loop(0, N_CHUNKS, chunk_body, 0)
    plsc.subcore_barrier()

    def cpout(b, carry):
        pltpu.sync_copy(acc.at[pl.ds(row0 + b * COPY_BLK, COPY_BLK)], tmp)
        pltpu.sync_copy(tmp, out.at[c, pl.ds(row0 + b * COPY_BLK, COPY_BLK)])
        return carry

    lax.fori_loop(0, ROWS_PER_TILE // COPY_BLK, cpout, 0)


def _post_body(p_ref, b_ref, o_ref):
    ssum = p_ref[0] + p_ref[1]
    num = ssum[:N_NODES, 0:D]
    den = ssum[:N_NODES, D:D + 1]
    o_ref[...] = jnp.maximum(num / den + b_ref[...], 0.0)


def _post(partial, bias):
    return pl.pallas_call(
        _post_body,
        out_shape=jax.ShapeDtypeStruct((N_NODES, D), jnp.float32),
    )(partial, bias)


def kernel(x, edge_index, W, att_src, att_dst, bias):
    xp = jnp.zeros((N_PAD, D), jnp.float32).at[:N_NODES].set(
        x.astype(jnp.float32))
    hext, asrc, adst = _pre(xp, W, att_src.reshape(1, D),
                            att_dst.reshape(1, D))

    ei = edge_index.astype(jnp.int32)
    loop = jnp.arange(N_NODES, dtype=jnp.int32)
    n_pad_edges = E_PAD - (ei.shape[1] + N_NODES)
    pad_ids = N_NODES + (jnp.arange(n_pad_edges, dtype=jnp.int32)
                         % (N_PAD - N_NODES))
    src = jnp.concatenate([ei[0], loop, pad_ids])
    dst = jnp.concatenate([ei[1], loop, pad_ids])

    partial = _sc_edges(hext, asrc, adst, src, dst)
    return _post(partial, bias.reshape(1, D))

# --- scband reference (transcript-rebuilt; emitter-appended) ---
"""Pipeline reference for scband-gatlayer-1374389534963 (READ-ONLY COPY).

The authoritative reference and input builder live on the scoring server;
editing this copy changes nothing except your own understanding.
"""

import jax, jax.numpy as jnp
import numpy as np

N_NODES = 10000
N_EDGES = 320000
D_IN = 128
D_OUT = 128
HEADS = 1
NEG_SLOPE = 0.2


def setup_inputs(seed: int = 0) -> dict:
    key = jax.random.key(seed)
    k_x, k_ei, k_w, k_as, k_ad = (jax.random.fold_in(key, i) for i in range(5))
    x = jax.random.normal(k_x, (N_NODES, D_IN), dtype=jnp.float32)
    edge_index = jax.random.randint(k_ei, (2, N_EDGES), 0, N_NODES, dtype=jnp.int64)
    W = jax.random.normal(k_w, (D_IN, HEADS * D_OUT), dtype=jnp.float32) * (1.0 / np.sqrt(D_IN))
    att_src = jax.random.normal(k_as, (HEADS, D_OUT), dtype=jnp.float32) * (1.0 / np.sqrt(D_OUT))
    att_dst = jax.random.normal(k_ad, (HEADS, D_OUT), dtype=jnp.float32) * (1.0 / np.sqrt(D_OUT))
    bias = jnp.zeros((HEADS * D_OUT,), dtype=jnp.float32)
    return {"x": x, "edge_index": edge_index, "W": W, "att_src": att_src, "att_dst": att_dst, "bias": bias}


def reference(x, edge_index, W, att_src, att_dst, bias):
    N = x.shape[0]
    # add self loops (PyG GATConv default add_self_loops=True)
    loop = jnp.arange(N, dtype=edge_index.dtype)
    ei = jnp.concatenate([edge_index, jnp.stack([loop, loop])], axis=1)
    src, dst = ei[0], ei[1]
    # linear projection, view as [N, H, C]
    h = (x @ W).reshape(N, HEADS, D_OUT)
    # per-node attention logits
    a_src = jnp.sum(h * att_src[None, :, :], axis=-1)  # [N, H]
    a_dst = jnp.sum(h * att_dst[None, :, :], axis=-1)  # [N, H]
    # per-edge attention (gather)
    alpha = a_src[src] + a_dst[dst]  # [E, H]
    alpha = jax.nn.leaky_relu(alpha, negative_slope=NEG_SLOPE)
    # softmax over incoming edges of each dst node (segment softmax)
    amax = jax.ops.segment_max(alpha, dst, num_segments=N)
    alpha = jnp.exp(alpha - amax[dst])
    denom = jax.ops.segment_sum(alpha, dst, num_segments=N)
    alpha = alpha / denom[dst]
    # weighted message aggregation (gather + scatter-add)
    msg = h[src] * alpha[:, :, None]  # [E, H, C]
    out = jax.ops.segment_sum(msg, dst, num_segments=N)  # [N, H, C]
    out = out.reshape(N, HEADS * D_OUT) + bias
    # AbstractGCLayer: no batch norm, activation=relu, no dropout
    out = jax.nn.relu(out)
    return out

if __name__ == "__main__":
    import jax
    _d = setup_inputs()
    print(jax.jit(kernel)(*tuple(_d.values())))

</pallas_src>

<mosaic_0001>
#map = affine_map<(d0, d1) -> (0, 0)>
#map1 = affine_map<(d0, d1) -> (0)>
#map2 = affine_map<(d0, d1) -> (0, 0, 0)>
module attributes {stable_mosaic.version = 14 : i64} {
  func.func @_sc_edges(%arg0: i32, %arg1: i32, %arg2: memref<10240x144xf32, #tpu.memory_space<hbm>>, %arg3: memref<10240xf32, #tpu.memory_space<hbm>>, %arg4: memref<10240xf32, #tpu.memory_space<hbm>>, %arg5: memref<331776xi32, #tpu.memory_space<hbm>>, %arg6: memref<331776xi32, #tpu.memory_space<hbm>>, %arg7: memref<2x10240x144xf32, #tpu.memory_space<hbm>>, %arg8: memref<128xf32, #tpu.memory_space<vmem>>, %arg9: memref<128xf32, #tpu.memory_space<vmem>>, %arg10: memref<128xi32, #tpu.memory_space<vmem>>, %arg11: memref<128xi32, #tpu.memory_space<vmem>>, %arg12: memref<128xf32, #tpu.memory_space<vmem>>, %arg13: memref<128x144xf32, #tpu.memory_space<vmem>>, %arg14: memref<64x144xf32, #tpu.memory_space<vmem>>, %arg15: memref<10240x144xf32, #tpu.memory_space<vmem_shared>>, %arg16: memref<!tpu.dma_semaphore, #tpu.memory_space<semaphore_mem>>, %arg17: memref<!tpu.dma_semaphore, #tpu.memory_space<semaphore_mem>>, %arg18: memref<!tpu.dma_semaphore, #tpu.memory_space<semaphore_mem>>) attributes {dimension_semantics = [#tpu.dimension_semantics<core_parallel>, #tpu.dimension_semantics<subcore_parallel>], iteration_bounds = array<i64: 2, 16>, scalar_prefetch = 0 : i64, scratch_operands = 11 : i64, tpu.core_type = #tpu.core_type<sc_vector_subcore>, window_params = [{transform_indices = #map}, {transform_indices = #map1}, {transform_indices = #map1}, {transform_indices = #map1}, {transform_indices = #map1}, {transform_indices = #map2}]} {
    %mul3A = arith.constant 16 : i32
    %mul3A_0 = arith.muli %arg0, %mul3A : i32
    %add3A = arith.addi %mul3A_0, %arg1 : i32
    %mul3A_1 = arith.constant 640 : i32
    %mul3A_2 = arith.muli %arg1, %mul3A_1 : i32
    %broadcast_in_dim3A = arith.constant 0.000000e+00 : f32
    %broadcast_in_dim3A_3 = vector.broadcast %broadcast_in_dim3A : f32 to vector<16xf32>
    %scan3A = arith.constant 0 : i32
    %scan3A_4 = arith.constant 0 : i32
    %scan3A_5 = arith.constant 64 : i32
    %scan3A_6 = arith.addi %scan3A_4, %scan3A_5 : i32
    %scan3A_7 = arith.constant 1 : i32
    scf.for %scan3A_30 = %scan3A_4 to %scan3A_6 step %scan3A_7  : i32 {
      %swap3A = arith.index_cast %scan3A_30 : i32 to index
      %swap3A_31 = arith.constant 0 : index
      %swap3A_32 = tpu.vector_load %arg14[%swap3A, %swap3A_31] {strides = array<i32>} : memref<64x144xf32, #tpu.memory_space<vmem>>, vector<1x16xf32>,
      %swap3A_33 = vector.shape_cast %swap3A_32 : vector<1x16xf32> to vector<16xf32>
      %swap3A_34 = vector.shape_cast %broadcast_in_dim3A_3 : vector<16xf32> to vector<1x16xf32>
      tpu.vector_store %arg14[%swap3A, %swap3A_31], %swap3A_34 {strides = array<i32>} : memref<64x144xf32, #tpu.memory_space<vmem>>, vector<1x16xf32>,
      %swap3A_35 = arith.index_cast %scan3A_30 : i32 to index
      %swap3A_36 = arith.constant 16 : index
      %swap3A_37 = tpu.vector_load %arg14[%swap3A_35, %swap3A_36] {strides = array<i32>} : memref<64x144xf32, #tpu.memory_space<vmem>>, vector<1x16xf32>,
      %swap3A_38 = vector.shape_cast %swap3A_37 : vector<1x16xf32> to vector<16xf32>
      %swap3A_39 = vector.shape_cast %broadcast_in_dim3A_3 : vector<16xf32> to vector<1x16xf32>
      tpu.vector_store %arg14[%swap3A_35, %swap3A_36], %swap3A_39 {strides = array<i32>} : memref<64x144xf32, #tpu.memory_space<vmem>>, vector<1x16xf32>,
      %swap3A_40 = arith.index_cast %scan3A_30 : i32 to index
      %swap3A_41 = arith.constant 32 : index
      %swap3A_42 = tpu.vector_load %arg14[%swap3A_40, %swap3A_41] {strides = array<i32>} : memref<64x144xf32, #tpu.memory_space<vmem>>, vector<1x16xf32>,
      %swap3A_43 = vector.shape_cast %swap3A_42 : vector<1x16xf32> to vector<16xf32>
      %swap3A_44 = vector.shape_cast %broadcast_in_dim3A_3 : vector<16xf32> to vector<1x16xf32>
      tpu.vector_store %arg14[%swap3A_40, %swap3A_41], %swap3A_44 {strides = array<i32>} : memref<64x144xf32, #tpu.memory_space<vmem>>, vector<1x16xf32>,
      %swap3A_45 = arith.index_cast %scan3A_30 : i32 to index
      %swap3A_46 = arith.constant 48 : index
      %swap3A_47 = tpu.vector_load %arg14[%swap3A_45, %swap3A_46] {strides = array<i32>} : memref<64x144xf32, #tpu.memory_space<vmem>>, vector<1x16xf32>,
      %swap3A_48 = vector.shape_cast %swap3A_47 : vector<1x16xf32> to vector<16xf32>
      %swap3A_49 = vector.shape_cast %broadcast_in_dim3A_3 : vector<16xf32> to vector<1x16xf32>
      tpu.vector_store %arg14[%swap3A_45, %swap3A_46], %swap3A_49 {strides = array<i32>} : memref<64x144xf32, #tpu.memory_space<vmem>>, vector<1x16xf32>,
      %swap3A_50 = arith.index_cast %scan3A_30 : i32 to index
      %swap3A_51 = arith.constant 64 : index
      %swap3A_52 = tpu.vector_load %arg14[%swap3A_50, %swap3A_51] {strides = array<i32>} : memref<64x144xf32, #tpu.memory_space<vmem>>, vector<1x16xf32>,
      %swap3A_53 = vector.shape_cast %swap3A_52 : vector<1x16xf32> to vector<16xf32>
      %swap3A_54 = vector.shape_cast %broadcast_in_dim3A_3 : vector<16xf32> to vector<1x16xf32>
      tpu.vector_store %arg14[%swap3A_50, %swap3A_51], %swap3A_54 {strides = array<i32>} : memref<64x144xf32, #tpu.memory_space<vmem>>, vector<1x16xf32>,
      %swap3A_55 = arith.index_cast %scan3A_30 : i32 to index
      %swap3A_56 = arith.constant 80 : index
      %swap3A_57 = tpu.vector_load %arg14[%swap3A_55, %swap3A_56] {strides = array<i32>} : memref<64x144xf32, #tpu.memory_space<vmem>>, vector<1x16xf32>,
      %swap3A_58 = vector.shape_cast %swap3A_57 : vector<1x16xf32> to vector<16xf32>
      %swap3A_59 = vector.shape_cast %broadcast_in_dim3A_3 : vector<16xf32> to vector<1x16xf32>
      tpu.vector_store %arg14[%swap3A_55, %swap3A_56], %swap3A_59 {strides = array<i32>} : memref<64x144xf32, #tpu.memory_space<vmem>>, vector<1x16xf32>,
      %swap3A_60 = arith.index_cast %scan3A_30 : i32 to index
      %swap3A_61 = arith.constant 96 : index
      %swap3A_62 = tpu.vector_load %arg14[%swap3A_60, %swap3A_61] {strides = array<i32>} : memref<64x144xf32, #tpu.memory_space<vmem>>, vector<1x16xf32>,
      %swap3A_63 = vector.shape_cast %swap3A_62 : vector<1x16xf32> to vector<16xf32>
      %swap3A_64 = vector.shape_cast %broadcast_in_dim3A_3 : vector<16xf32> to vector<1x16xf32>
      tpu.vector_store %arg14[%swap3A_60, %swap3A_61], %swap3A_64 {strides = array<i32>} : memref<64x144xf32, #tpu.memory_space<vmem>>, vector<1x16xf32>,
      %swap3A_65 = arith.index_cast %scan3A_30 : i32 to index
      %swap3A_66 = arith.constant 112 : index
      %swap3A_67 = tpu.vector_load %arg14[%swap3A_65, %swap3A_66] {strides = array<i32>} : memref<64x144xf32, #tpu.memory_space<vmem>>, vector<1x16xf32>,
      %swap3A_68 = vector.shape_cast %swap3A_67 : vector<1x16xf32> to vector<16xf32>
      %swap3A_69 = vector.shape_cast %broadcast_in_dim3A_3 : vector<16xf32> to vector<1x16xf32>
      tpu.vector_store %arg14[%swap3A_65, %swap3A_66], %swap3A_69 {strides = array<i32>} : memref<64x144xf32, #tpu.memory_space<vmem>>, vector<1x16xf32>,
      %swap3A_70 = arith.index_cast %scan3A_30 : i32 to index
      %swap3A_71 = arith.constant 128 : index
      %swap3A_72 = tpu.vector_load %arg14[%swap3A_70, %swap3A_71] {strides = array<i32>} : memref<64x144xf32, #tpu.memory_space<vmem>>, vector<1x16xf32>,
      %swap3A_73 = vector.shape_cast %swap3A_72 : vector<1x16xf32> to vector<16xf32>
      %swap3A_74 = vector.shape_cast %broadcast_in_dim3A_3 : vector<16xf32> to vector<1x16xf32>
      tpu.vector_store %arg14[%swap3A_70, %swap3A_71], %swap3A_74 {strides = array<i32>} : memref<64x144xf32, #tpu.memory_space<vmem>>, vector<1x16xf32>,
    }
    %scan3A_8 = arith.constant 64 : i32
    %scan3A_9 = arith.constant 0 : i32
    %scan3A_10 = arith.constant 0 : i32
    %scan3A_11 = arith.constant 10 : i32
    %scan3A_12 = arith.addi %scan3A_10, %scan3A_11 : i32
    %scan3A_13 = arith.constant 1 : i32
    scf.for %scan3A_30 = %scan3A_10 to %scan3A_12 step %scan3A_13  : i32 {
      %mul3A_31 = arith.constant 64 : i32
      %mul3A_32 = arith.muli %scan3A_30, %mul3A_31 : i32
      %add3A_33 = arith.addi %mul3A_2, %mul3A_32 : i32
      "tpu.region"() ({
        %run_scoped3A = tpu.sem_alloc : memref<!tpu.dma_semaphore, #tpu.memory_space<semaphore_mem>>
        %dma_start3A = arith.constant 0 : i32
        %dma_start3A_34 = tpu.memref_slice %arg15[%add3A_33, %dma_start3A] : memref<10240x144xf32, #tpu.memory_space<vmem_shared>> -> memref<64x144xf32, #tpu.memory_space<vmem_shared>>
        %dma_start3A_35 = arith.constant 0 : i32
        %dma_start3A_36 = tpu.memref_slice %arg15[%add3A_33, %dma_start3A_35] : memref<10240x144xf32, #tpu.memory_space<vmem_shared>> -> memref<64x144xf32, #tpu.memory_space<vmem_shared>>
        tpu.enqueue_dma source(%arg14 : memref<64x144xf32, #tpu.memory_space<vmem>>) target(%dma_start3A_36 : memref<64x144xf32, #tpu.memory_space<vmem_shared>>) target_semaphore(%run_scoped3A : memref<!tpu.dma_semaphore, #tpu.memory_space<semaphore_mem>>)
        %dma_wait3A = arith.constant 0 : i32
        %dma_wait3A_37 = tpu.memref_slice %arg15[%add3A_33, %dma_wait3A] : memref<10240x144xf32, #tpu.memory_space<vmem_shared>> -> memref<64x144xf32, #tpu.memory_space<vmem_shared>>
        %dma_wait3A_38 = arith.constant 0 : i32
        %dma_wait3A_39 = tpu.memref_slice %arg15[%add3A_33, %dma_wait3A_38] : memref<10240x144xf32, #tpu.memory_space<vmem_shared>> -> memref<64x144xf32, #tpu.memory_space<vmem_shared>>
        tpu.wait_dma2 semaphore(%run_scoped3A : memref<!tpu.dma_semaphore, #tpu.memory_space<semaphore_mem>>) src(%arg14 : memref<64x144xf32, #tpu.memory_space<vmem>>) dst(%dma_wait3A_39 : memref<64x144xf32, #tpu.memory_space<vmem_shared>>)
        tpu.yield
      }) : () -> ()
    }
    %scan3A_14 = arith.constant 10 : i32
    %barrier3A = arith.constant 0 : index
    tpu.barrier barrier_id(%barrier3A)
    %mul3A_15 = arith.constant 10368 : i32
    %mul3A_16 = arith.muli %add3A, %mul3A_15 : i32
    %scan3A_17 = arith.constant 0 : i32
    %scan3A_18 = arith.constant 0 : i32
    %scan3A_19 = arith.constant 81 : i32
    %scan3A_20 = arith.addi %scan3A_18, %scan3A_19 : i32
    %scan3A_21 = arith.constant 1 : i32
    scf.for %scan3A_30 = %scan3A_18 to %scan3A_20 step %scan3A_21  : i32 {
      %mul3A_31 = arith.constant 128 : i32
      %mul3A_32 = arith.muli %scan3A_30, %mul3A_31 : i32
      %add3A_33 = arith.addi %mul3A_16, %mul3A_32 : i32
      "tpu.region"() ({
        %run_scoped3A = tpu.sem_alloc : memref<!tpu.dma_semaphore, #tpu.memory_space<semaphore_mem>>
        %dma_start3A_199 = tpu.memref_slice %arg5[%add3A_33] : memref<331776xi32, #tpu.memory_space<hbm>> -> memref<128xi32, #tpu.memory_space<hbm>>
        %dma_start3A_200 = tpu.memref_slice %arg5[%add3A_33] : memref<331776xi32, #tpu.memory_space<hbm>> -> memref<128xi32, #tpu.memory_space<hbm>>
        tpu.enqueue_dma source(%dma_start3A_200 : memref<128xi32, #tpu.memory_space<hbm>>) target(%arg10 : memref<128xi32, #tpu.memory_space<vmem>>) target_semaphore(%run_scoped3A : memref<!tpu.dma_semaphore, #tpu.memory_space<semaphore_mem>>)
        %dma_wait3A_201 = tpu.memref_slice %arg5[%add3A_33] : memref<331776xi32, #tpu.memory_space<hbm>> -> memref<128xi32, #tpu.memory_space<hbm>>
        %dma_wait3A_202 = tpu.memref_slice %arg5[%add3A_33] : memref<331776xi32, #tpu.memory_space<hbm>> -> memref<128xi32, #tpu.memory_space<hbm>>
        tpu.wait_dma2 semaphore(%run_scoped3A : memref<!tpu.dma_semaphore, #tpu.memory_space<semaphore_mem>>) src(%dma_wait3A_202 : memref<128xi32, #tpu.memory_space<hbm>>) dst(%arg10 : memref<128xi32, #tpu.memory_space<vmem>>)
        tpu.yield
      }) : () -> ()
      "tpu.region"() ({
        %run_scoped3A = tpu.sem_alloc : memref<!tpu.dma_semaphore, #tpu.memory_space<semaphore_mem>>
        %dma_start3A_199 = tpu.memref_slice %arg6[%add3A_33] : memref<331776xi32, #tpu.memory_space<hbm>> -> memref<128xi32, #tpu.memory_space<hbm>>
        %dma_start3A_200 = tpu.memref_slice %arg6[%add3A_33] : memref<331776xi32, #tpu.memory_space<hbm>> -> memref<128xi32, #tpu.memory_space<hbm>>
        tpu.enqueue_dma source(%dma_start3A_200 : memref<128xi32, #tpu.memory_space<hbm>>) target(%arg11 : memref<128xi32, #tpu.memory_space<vmem>>) target_semaphore(%run_scoped3A : memref<!tpu.dma_semaphore, #tpu.memory_space<semaphore_mem>>)
        %dma_wait3A_201 = tpu.memref_slice %arg6[%add3A_33] : memref<331776xi32, #tpu.memory_space<hbm>> -> memref<128xi32, #tpu.memory_space<hbm>>
        %dma_wait3A_202 = tpu.memref_slice %arg6[%add3A_33] : memref<331776xi32, #tpu.memory_space<hbm>> -> memref<128xi32, #tpu.memory_space<hbm>>
        tpu.wait_dma2 semaphore(%run_scoped3A : memref<!tpu.dma_semaphore, #tpu.memory_space<semaphore_mem>>) src(%dma_wait3A_202 : memref<128xi32, #tpu.memory_space<hbm>>) dst(%arg11 : memref<128xi32, #tpu.memory_space<vmem>>)
        tpu.yield
      }) : () -> ()
      %dma_start3A = arith.constant 0 : i32
      %dma_start3A_34 = arith.constant 0 : i32
      %dma_start3A_35 = tpu.memref_slice %arg2[%dma_start3A, %dma_start3A_34] : memref<10240x144xf32, #tpu.memory_space<hbm>> -> memref<10240x144xf32, #tpu.memory_space<hbm>>
      tpu.enqueue_indirect_dma source(%dma_start3A_35 : memref<10240x144xf32, #tpu.memory_space<hbm>>) target(%arg13 : memref<128x144xf32, #tpu.memory_space<vmem>>) offsets(%arg10 : memref<128xi32, #tpu.memory_space<vmem>>) semaphore(%arg16 : memref<!tpu.dma_semaphore, #tpu.memory_space<semaphore_mem>>)
      %dma_start3A_36 = arith.constant 0 : i32
      %dma_start3A_37 = tpu.memref_slice %arg3[%dma_start3A_36] : memref<10240xf32, #tpu.memory_space<hbm>> -> memref<10240xf32, #tpu.memory_space<hbm>>
      tpu.enqueue_indirect_dma source(%dma_start3A_37 : memref<10240xf32, #tpu.memory_space<hbm>>) target(%arg8 : memref<128xf32, #tpu.memory_space<vmem>>) offsets(%arg10 : memref<128xi32, #tpu.memory_space<vmem>>) semaphore(%arg17 : memref<!tpu.dma_semaphore, #tpu.memory_space<semaphore_mem>>)
      %dma_start3A_38 = arith.constant 0 : i32
      %dma_start3A_39 = tpu.memref_slice %arg4[%dma_start3A_38] : memref<10240xf32, #tpu.memory_space<hbm>> -> memref<10240xf32, #tpu.memory_space<hbm>>
      tpu.enqueue_indirect_dma source(%dma_start3A_39 : memref<10240xf32, #tpu.memory_space<hbm>>) target(%arg9 : memref<128xf32, #tpu.memory_space<vmem>>) offsets(%arg11 : memref<128xi32, #tpu.memory_space<vmem>>) semaphore(%arg18 : memref<!tpu.dma_semaphore, #tpu.memory_space<semaphore_mem>>)
      %dma_wait3A = arith.constant 0 : i32
      %dma_wait3A_40 = tpu.memref_slice %arg3[%dma_wait3A] : memref<10240xf32, #tpu.memory_space<hbm>> -> memref<10240xf32, #tpu.memory_space<hbm>>
      tpu.wait_indirect_dma semaphore(%arg17 : memref<!tpu.dma_semaphore, #tpu.memory_space<semaphore_mem>>) src(%dma_wait3A_40 : memref<10240xf32, #tpu.memory_space<hbm>>) dst(%arg8 : memref<128xf32, #tpu.memory_space<vmem>>)
      %dma_wait3A_41 = arith.constant 0 : i32
      %dma_wait3A_42 = tpu.memref_slice %arg4[%dma_wait3A_41] : memref<10240xf32, #tpu.memory_space<hbm>> -> memref<10240xf32, #tpu.memory_space<hbm>>
      tpu.wait_indirect_dma semaphore(%arg18 : memref<!tpu.dma_semaphore, #tpu.memory_space<semaphore_mem>>) src(%dma_wait3A_42 : memref<10240xf32, #tpu.memory_space<hbm>>) dst(%arg9 : memref<128xf32, #tpu.memory_space<vmem>>)
      %get3A = arith.constant 0 : index
      %get3A_43 = tpu.vector_load %arg8[%get3A] {strides = array<i32>} : memref<128xf32, #tpu.memory_space<vmem>>, vector<16xf32>,
      %get3A_44 = vector.shape_cast %get3A_43 : vector<16xf32> to vector<16xf32>
      %get3A_45 = arith.constant 0 : index
      %get3A_46 = tpu.vector_load %arg9[%get3A_45] {strides = array<i32>} : memref<128xf32, #tpu.memory_space<vmem>>, vector<16xf32>,
      %get3A_47 = vector.shape_cast %get3A_46 : vector<16xf32> to vector<16xf32>
      %add3A_48 = arith.addf %get3A_44, %get3A_47 : vector<16xf32>
      %gt3A = arith.constant 0.000000e+00 : f32
      %gt3A_49 = vector.broadcast %gt3A : f32 to vector<16xf32>
      %gt3A_50 = arith.cmpf ogt, %add3A_48, %gt3A_49 : vector<16xf32>
      %mul3A_51 = arith.constant 2.000000e-01 : f32
      %mul3A_52 = vector.broadcast %mul3A_51 : f32 to vector<16xf32>
      %mul3A_53 = arith.mulf %mul3A_52, %add3A_48 : vector<16xf32>
      %select_n3A = arith.select %gt3A_50, %add3A_48, %mul3A_53 : vector<16xi1>, vector<16xf32>
      %exp3A = math.exp %select_n3A : vector<16xf32>
      %swap3A = arith.constant 0 : index
      %swap3A_54 = tpu.vector_load %arg12[%swap3A] {strides = array<i32>} : memref<128xf32, #tpu.memory_space<vmem>>, vector<16xf32>,
      %swap3A_55 = vector.shape_cast %swap3A_54 : vector<16xf32> to vector<16xf32>
      %swap3A_56 = vector.shape_cast %exp3A : vector<16xf32> to vector<16xf32>
      tpu.vector_store %arg12[%swap3A], %swap3A_56 {strides = array<i32>} : memref<128xf32, #tpu.memory_space<vmem>>, vector<16xf32>,
      %get3A_57 = arith.constant 16 : index
      %get3A_58 = tpu.vector_load %arg8[%get3A_57] {strides = array<i32>} : memref<128xf32, #tpu.memory_space<vmem>>, vector<16xf32>,
      %get3A_59 = vector.shape_cast %get3A_58 : vector<16xf32> to vector<16xf32>
      %get3A_60 = arith.constant 16 : index
      %get3A_61 = tpu.vector_load %arg9[%get3A_60] {strides = array<i32>} : memref<128xf32, #tpu.memory_space<vmem>>, vector<16xf32>,
      %get3A_62 = vector.shape_cast %get3A_61 : vector<16xf32> to vector<16xf32>
      %add3A_63 = arith.addf %get3A_59, %get3A_62 : vector<16xf32>
      %gt3A_64 = arith.constant 0.000000e+00 : f32
      %gt3A_65 = vector.broadcast %gt3A_64 : f32 to vector<16xf32>
      %gt3A_66 = arith.cmpf ogt, %add3A_63, %gt3A_65 : vector<16xf32>
      %mul3A_67 = arith.constant 2.000000e-01 : f32
      %mul3A_68 = vector.broadcast %mul3A_67 : f32 to vector<16xf32>
      %mul3A_69 = arith.mulf %mul3A_68, %add3A_63 : vector<16xf32>
      %select_n3A_70 = arith.select %gt3A_66, %add3A_63, %mul3A_69 : vector<16xi1>, vector<16xf32>
      %exp3A_71 = math.exp %select_n3A_70 : vector<16xf32>
      %swap3A_72 = arith.constant 16 : index
      %swap3A_73 = tpu.vector_load %arg12[%swap3A_72] {strides = array<i32>} : memref<128xf32, #tpu.memory_space<vmem>>, vector<16xf32>,
      %swap3A_74 = vector.shape_cast %swap3A_73 : vector<16xf32> to vector<16xf32>
      %swap3A_75 = vector.shape_cast %exp3A_71 : vector<16xf32> to vector<16xf32>
      tpu.vector_store %arg12[%swap3A_72], %swap3A_75 {strides = array<i32>} : memref<128xf32, #tpu.memory_space<vmem>>, vector<16xf32>,
      %get3A_76 = arith.constant 32 : index
      %get3A_77 = tpu.vector_load %arg8[%get3A_76] {strides = array<i32>} : memref<128xf32, #tpu.memory_space<vmem>>, vector<16xf32>,
      %get3A_78 = vector.shape_cast %get3A_77 : vector<16xf32> to vector<16xf32>
      %get3A_79 = arith.constant 32 : index
      %get3A_80 = tpu.vector_load %arg9[%get3A_79] {strides = array<i32>} : memref<128xf32, #tpu.memory_space<vmem>>, vector<16xf32>,
      %get3A_81 = vector.shape_cast %get3A_80 : vector<16xf32> to vector<16xf32>
      %add3A_82 = arith.addf %get3A_78, %get3A_81 : vector<16xf32>
      %gt3A_83 = arith.constant 0.000000e+00 : f32
      %gt3A_84 = vector.broadcast %gt3A_83 : f32 to vector<16xf32>
      %gt3A_85 = arith.cmpf ogt, %add3A_82, %gt3A_84 : vector<16xf32>
      %mul3A_86 = arith.constant 2.000000e-01 : f32
      %mul3A_87 = vector.broadcast %mul3A_86 : f32 to vector<16xf32>
      %mul3A_88 = arith.mulf %mul3A_87, %add3A_82 : vector<16xf32>
      %select_n3A_89 = arith.select %gt3A_85, %add3A_82, %mul3A_88 : vector<16xi1>, vector<16xf32>
      %exp3A_90 = math.exp %select_n3A_89 : vector<16xf32>
      %swap3A_91 = arith.constant 32 : index
      %swap3A_92 = tpu.vector_load %arg12[%swap3A_91] {strides = array<i32>} : memref<128xf32, #tpu.memory_space<vmem>>, vector<16xf32>,
      %swap3A_93 = vector.shape_cast %swap3A_92 : vector<16xf32> to vector<16xf32>
      %swap3A_94 = vector.shape_cast %exp3A_90 : vector<16xf32> to vector<16xf32>
      tpu.vector_store %arg12[%swap3A_91], %swap3A_94 {strides = array<i32>} : memref<128xf32, #tpu.memory_space<vmem>>, vector<16xf32>,
      %get3A_95 = arith.constant 48 : index
      %get3A_96 = tpu.vector_load %arg8[%get3A_95] {strides = array<i32>} : memref<128xf32, #tpu.memory_space<vmem>>, vector<16xf32>,
      %get3A_97 = vector.shape_cast %get3A_96 : vector<16xf32> to vector<16xf32>
      %get3A_98 = arith.constant 48 : index
      %get3A_99 = tpu.vector_load %arg9[%get3A_98] {strides = array<i32>} : memref<128xf32, #tpu.memory_space<vmem>>, vector<16xf32>,
      %get3A_100 = vector.shape_cast %get3A_99 : vector<16xf32> to vector<16xf32>
      %add3A_101 = arith.addf %get3A_97, %get3A_100 : vector<16xf32>
      %gt3A_102 = arith.constant 0.000000e+00 : f32
      %gt3A_103 = vector.broadcast %gt3A_102 : f32 to vector<16xf32>
      %gt3A_104 = arith.cmpf ogt, %add3A_101, %gt3A_103 : vector<16xf32>
      %mul3A_105 = arith.constant 2.000000e-01 : f32
      %mul3A_106 = vector.broadcast %mul3A_105 : f32 to vector<16xf32>
      %mul3A_107 = arith.mulf %mul3A_106, %add3A_101 : vector<16xf32>
      %select_n3A_108 = arith.select %gt3A_104, %add3A_101, %mul3A_107 : vector<16xi1>, vector<16xf32>
      %exp3A_109 = math.exp %select_n3A_108 : vector<16xf32>
      %swap3A_110 = arith.constant 48 : index
      %swap3A_111 = tpu.vector_load %arg12[%swap3A_110] {strides = array<i32>} : memref<128xf32, #tpu.memory_space<vmem>>, vector<16xf32>,
      %swap3A_112 = vector.shape_cast %swap3A_111 : vector<16xf32> to vector<16xf32>
      %swap3A_113 = vector.shape_cast %exp3A_109 : vector<16xf32> to vector<16xf32>
      tpu.vector_store %arg12[%swap3A_110], %swap3A_113 {strides = array<i32>} : memref<128xf32, #tpu.memory_space<vmem>>, vector<16xf32>,
      %get3A_114 = arith.constant 64 : index
      %get3A_115 = tpu.vector_load %arg8[%get3A_114] {strides = array<i32>} : memref<128xf32, #tpu.memory_space<vmem>>, vector<16xf32>,
      %get3A_116 = vector.shape_cast %get3A_115 : vector<16xf32> to vector<16xf32>
      %get3A_117 = arith.constant 64 : index
      %get3A_118 = tpu.vector_load %arg9[%get3A_117] {strides = array<i32>} : memref<128xf32, #tpu.memory_space<vmem>>, vector<16xf32>,
      %get3A_119 = vector.shape_cast %get3A_118 : vector<16xf32> to vector<16xf32>
      %add3A_120 = arith.addf %get3A_116, %get3A_119 : vector<16xf32>
      %gt3A_121 = arith.constant 0.000000e+00 : f32
      %gt3A_122 = vector.broadcast %gt3A_121 : f32 to vector<16xf32>
      %gt3A_123 = arith.cmpf ogt, %add3A_120, %gt3A_122 : vector<16xf32>
      %mul3A_124 = arith.constant 2.000000e-01 : f32
      %mul3A_125 = vector.broadcast %mul3A_124 : f32 to vector<16xf32>
      %mul3A_126 = arith.mulf %mul3A_125, %add3A_120 : vector<16xf32>
      %select_n3A_127 = arith.select %gt3A_123, %add3A_120, %mul3A_126 : vector<16xi1>, vector<16xf32>
      %exp3A_128 = math.exp %select_n3A_127 : vector<16xf32>
      %swap3A_129 = arith.constant 64 : index
      %swap3A_130 = tpu.vector_load %arg12[%swap3A_129] {strides = array<i32>} : memref<128xf32, #tpu.memory_space<vmem>>, vector<16xf32>,
      %swap3A_131 = vector.shape_cast %swap3A_130 : vector<16xf32> to vector<16xf32>
      %swap3A_132 = vector.shape_cast %exp3A_128 : vector<16xf32> to vector<16xf32>
      tpu.vector_store %arg12[%swap3A_129], %swap3A_132 {strides = array<i32>} : memref<128xf32, #tpu.memory_space<vmem>>, vector<16xf32>,
      %get3A_133 = arith.constant 80 : index
      %get3A_134 = tpu.vector_load %arg8[%get3A_133] {strides = array<i32>} : memref<128xf32, #tpu.memory_space<vmem>>, vector<16xf32>,
      %get3A_135 = vector.shape_cast %get3A_134 : vector<16xf32> to vector<16xf32>
      %get3A_136 = arith.constant 80 : index
      %get3A_137 = tpu.vector_load %arg9[%get3A_136] {strides = array<i32>} : memref<128xf32, #tpu.memory_space<vmem>>, vector<16xf32>,
      %get3A_138 = vector.shape_cast %get3A_137 : vector<16xf32> to vector<16xf32>
      %add3A_139 = arith.addf %get3A_135, %get3A_138 : vector<16xf32>
      %gt3A_140 = arith.constant 0.000000e+00 : f32
      %gt3A_141 = vector.broadcast %gt3A_140 : f32 to vector<16xf32>
      %gt3A_142 = arith.cmpf ogt, %add3A_139, %gt3A_141 : vector<16xf32>
      %mul3A_143 = arith.constant 2.000000e-01 : f32
      %mul3A_144 = vector.broadcast %mul3A_143 : f32 to vector<16xf32>
      %mul3A_145 = arith.mulf %mul3A_144, %add3A_139 : vector<16xf32>
      %select_n3A_146 = arith.select %gt3A_142, %add3A_139, %mul3A_145 : vector<16xi1>, vector<16xf32>
      %exp3A_147 = math.exp %select_n3A_146 : vector<16xf32>
      %swap3A_148 = arith.constant 80 : index
      %swap3A_149 = tpu.vector_load %arg12[%swap3A_148] {strides = array<i32>} : memref<128xf32, #tpu.memory_space<vmem>>, vector<16xf32>,
      %swap3A_150 = vector.shape_cast %swap3A_149 : vector<16xf32> to vector<16xf32>
      %swap3A_151 = vector.shape_cast %exp3A_147 : vector<16xf32> to vector<16xf32>
      tpu.vector_store %arg12[%swap3A_148], %swap3A_151 {strides = array<i32>} : memref<128xf32, #tpu.memory_space<vmem>>, vector<16xf32>,
      %get3A_152 = arith.constant 96 : index
      %get3A_153 = tpu.vector_load %arg8[%get3A_152] {strides = array<i32>} : memref<128xf32, #tpu.memory_space<vmem>>, vector<16xf32>,
      %get3A_154 = vector.shape_cast %get3A_153 : vector<16xf32> to vector<16xf32>
      %get3A_155 = arith.constant 96 : index
      %get3A_156 = tpu.vector_load %arg9[%get3A_155] {strides = array<i32>} : memref<128xf32, #tpu.memory_space<vmem>>, vector<16xf32>,
      %get3A_157 = vector.shape_cast %get3A_156 : vector<16xf32> to vector<16xf32>
      %add3A_158 = arith.addf %get3A_154, %get3A_157 : vector<16xf32>
      %gt3A_159 = arith.constant 0.000000e+00 : f32
      %gt3A_160 = vector.broadcast %gt3A_159 : f32 to vector<16xf32>
      %gt3A_161 = arith.cmpf ogt, %add3A_158, %gt3A_160 : vector<16xf32>
      %mul3A_162 = arith.constant 2.000000e-01 : f32
      %mul3A_163 = vector.broadcast %mul3A_162 : f32 to vector<16xf32>
      %mul3A_164 = arith.mulf %mul3A_163, %add3A_158 : vector<16xf32>
      %select_n3A_165 = arith.select %gt3A_161, %add3A_158, %mul3A_164 : vector<16xi1>, vector<16xf32>
      %exp3A_166 = math.exp %select_n3A_165 : vector<16xf32>
      %swap3A_167 = arith.constant 96 : index
      %swap3A_168 = tpu.vector_load %arg12[%swap3A_167] {strides = array<i32>} : memref<128xf32, #tpu.memory_space<vmem>>, vector<16xf32>,
      %swap3A_169 = vector.shape_cast %swap3A_168 : vector<16xf32> to vector<16xf32>
      %swap3A_170 = vector.shape_cast %exp3A_166 : vector<16xf32> to vector<16xf32>
      tpu.vector_store %arg12[%swap3A_167], %swap3A_170 {strides = array<i32>} : memref<128xf32, #tpu.memory_space<vmem>>, vector<16xf32>,
      %get3A_171 = arith.constant 112 : index
      %get3A_172 = tpu.vector_load %arg8[%get3A_171] {strides = array<i32>} : memref<128xf32, #tpu.memory_space<vmem>>, vector<16xf32>,
      %get3A_173 = vector.shape_cast %get3A_172 : vector<16xf32> to vector<16xf32>
      %get3A_174 = arith.constant 112 : index
      %get3A_175 = tpu.vector_load %arg9[%get3A_174] {strides = array<i32>} : memref<128xf32, #tpu.memory_space<vmem>>, vector<16xf32>,
      %get3A_176 = vector.shape_cast %get3A_175 : vector<16xf32> to vector<16xf32>
      %add3A_177 = arith.addf %get3A_173, %get3A_176 : vector<16xf32>
      %gt3A_178 = arith.constant 0.000000e+00 : f32
      %gt3A_179 = vector.broadcast %gt3A_178 : f32 to vector<16xf32>
      %gt3A_180 = arith.cmpf ogt, %add3A_177, %gt3A_179 : vector<16xf32>
      %mul3A_181 = arith.constant 2.000000e-01 : f32
      %mul3A_182 = vector.broadcast %mul3A_181 : f32 to vector<16xf32>
      %mul3A_183 = arith.mulf %mul3A_182, %add3A_177 : vector<16xf32>
      %select_n3A_184 = arith.select %gt3A_180, %add3A_177, %mul3A_183 : vector<16xi1>, vector<16xf32>
      %exp3A_185 = math.exp %select_n3A_184 : vector<16xf32>
      %swap3A_186 = arith.constant 112 : index
      %swap3A_187 = tpu.vector_load %arg12[%swap3A_186] {strides = array<i32>} : memref<128xf32, #tpu.memory_space<vmem>>, vector<16xf32>,
      %swap3A_188 = vector.shape_cast %swap3A_187 : vector<16xf32> to vector<16xf32>
      %swap3A_189 = vector.shape_cast %exp3A_185 : vector<16xf32> to vector<16xf32>
      tpu.vector_store %arg12[%swap3A_186], %swap3A_189 {strides = array<i32>} : memref<128xf32, #tpu.memory_space<vmem>>, vector<16xf32>,
      %dma_wait3A_190 = arith.constant 0 : i32
      %dma_wait3A_191 = arith.constant 0 : i32
      %dma_wait3A_192 = tpu.memref_slice %arg2[%dma_wait3A_190, %dma_wait3A_191] : memref<10240x144xf32, #tpu.memory_space<hbm>> -> memref<10240x144xf32, #tpu.memory_space<hbm>>
      tpu.wait_indirect_dma semaphore(%arg16 : memref<!tpu.dma_semaphore, #tpu.memory_space<semaphore_mem>>) src(%dma_wait3A_192 : memref<10240x144xf32, #tpu.memory_space<hbm>>) dst(%arg13 : memref<128x144xf32, #tpu.memory_space<vmem>>)
      %scan3A_193 = arith.constant 0 : i32
      %scan3A_194 = arith.constant 0 : i32
      %scan3A_195 = arith.constant 128 : i32
      %scan3A_196 = arith.addi %scan3A_194, %scan3A_195 : i32
      %scan3A_197 = arith.constant 1 : i32
      scf.for %scan3A_199 = %scan3A_194 to %scan3A_196 step %scan3A_197  : i32 {
        %jit3A = arith.constant 16 : i32
        %div3A = arith.divsi %scan3A_199, %jit3A : i32
        %sign3A = arith.constant 0 : i32
        %sign3A_200 = arith.cmpi sgt, %scan3A_199, %sign3A : i32
        %sign3A_201 = arith.extui %sign3A_200 : i1 to i32
        %sign3A_202 = arith.constant 0 : i32
        %sign3A_203 = arith.cmpi slt, %scan3A_199, %sign3A_202 : i32
        %sign3A_204 = arith.extui %sign3A_203 : i1 to i32
        %sign3A_205 = arith.subi %sign3A_201, %sign3A_204 : i32
        %sign3A_206 = arith.constant 0 : i32
        %sign3A_207 = arith.cmpi sgt, %jit3A, %sign3A_206 : i32
        %sign3A_208 = arith.extui %sign3A_207 : i1 to i32
        %sign3A_209 = arith.constant 0 : i32
        %sign3A_210 = arith.cmpi slt, %jit3A, %sign3A_209 : i32
        %sign3A_211 = arith.extui %sign3A_210 : i1 to i32
        %sign3A_212 = arith.subi %sign3A_208, %sign3A_211 : i32
        %ne3A = arith.cmpi ne, %sign3A_205, %sign3A_212 : i32
        %rem3A = arith.remsi %scan3A_199, %jit3A : i32
        %ne3A_213 = arith.constant 0 : i32
        %ne3A_214 = arith.cmpi ne, %rem3A, %ne3A_213 : i32
        %and3A = arith.andi %ne3A, %ne3A_214 : i1
        %sub3A = arith.constant 1 : i32
        %sub3A_215 = arith.subi %div3A, %sub3A : i32
        %select_n3A_216 = arith.select %and3A, %sub3A_215, %div3A : i32
        %mul3A_217 = arith.constant 16 : i32
        %mul3A_218 = arith.muli %select_n3A_216, %mul3A_217 : i32
        %multiple_of3A = tpu.assume_multiple %mul3A_218, 16 : i32
        %get3A_219 = arith.index_cast %multiple_of3A : i32 to index
        %get3A_220 = tpu.vector_load %arg12[%get3A_219] {strides = array<i32>} : memref<128xf32, #tpu.memory_space<vmem>>, vector<16xf32>,
        %get3A_221 = vector.shape_cast %get3A_220 : vector<16xf32> to vector<16xf32>
        %broadcast_in_dim3A_222 = arith.constant 0 : i32
        %broadcast_in_dim3A_223 = vector.broadcast %broadcast_in_dim3A_222 : i32 to vector<16xi32>
        %jit3A_224 = arith.constant 16 : i32
        %eq3A = arith.constant 0 : i32
        %eq3A_225 = arith.cmpi eq, %jit3A_224, %eq3A : i32
        %jit3A_226 = arith.constant 1 : i32
        %select_n3A_227 = arith.select %eq3A_225, %jit3A_226, %jit3A_224 : i32
        %rem3A_228 = arith.remsi %scan3A_199, %select_n3A_227 : i32
        %ne3A_229 = arith.constant 0 : i32
        %ne3A_230 = arith.cmpi ne, %rem3A_228, %ne3A_229 : i32
        %lt3A = arith.constant 0 : i32
        %lt3A_231 = arith.cmpi slt, %rem3A_228, %lt3A : i32
        %lt3A_232 = arith.constant 0 : i32
        %lt3A_233 = arith.cmpi slt, %select_n3A_227, %lt3A_232 : i32
        %ne3A_234 = arith.xori %lt3A_231, %lt3A_233 : i1
        %and3A_235 = arith.andi %ne3A_234, %ne3A_230 : i1
        %add3A_236 = arith.addi %rem3A_228, %select_n3A_227 : i32
        %select_n3A_237 = arith.select %and3A_235, %add3A_236, %rem3A_228 : i32
        %add3A_238 = vector.broadcast %select_n3A_237 : i32 to vector<16xi32>
        %add3A_239 = arith.addi %broadcast_in_dim3A_223, %add3A_238 : vector<16xi32>
        %broadcast_in_dim3A_240 = vector.shape_cast %add3A_239 : vector<16xi32> to vector<16x1xi32>
        %gather3A = vector.shape_cast %broadcast_in_dim3A_240 : vector<16x1xi32> to vector<16xi32>
        %gather3A_241 = tpu.dynamic_gather %get3A_221[%gather3A] in [0] : vector<16xf32>, vector<16xi32> -> vector<16xf32>
        %get3A_242 = arith.index_cast %scan3A_199 : i32 to index
        %get3A_243 = arith.constant 0 : index
        %get3A_244 = tpu.vector_load %arg13[%get3A_242, %get3A_243] {strides = array<i32>} : memref<128x144xf32, #tpu.memory_space<vmem>>, vector<1x16xf32>,
        %get3A_245 = vector.shape_cast %get3A_244 : vector<1x16xf32> to vector<16xf32>
        %mul3A_246 = arith.mulf %get3A_245, %gather3A_241 : vector<16xf32>
        %swap3A_247 = arith.index_cast %scan3A_199 : i32 to index
        %swap3A_248 = arith.constant 0 : index
        %swap3A_249 = tpu.vector_load %arg13[%swap3A_247, %swap3A_248] {strides = array<i32>} : memref<128x144xf32, #tpu.memory_space<vmem>>, vector<1x16xf32>,
        %swap3A_250 = vector.shape_cast %swap3A_249 : vector<1x16xf32> to vector<16xf32>
        %swap3A_251 = vector.shape_cast %mul3A_246 : vector<16xf32> to vector<1x16xf32>
        tpu.vector_store %arg13[%swap3A_247, %swap3A_248], %swap3A_251 {strides = array<i32>} : memref<128x144xf32, #tpu.memory_space<vmem>>, vector<1x16xf32>,
        %get3A_252 = arith.index_cast %scan3A_199 : i32 to index
        %get3A_253 = arith.constant 16 : index
        %get3A_254 = tpu.vector_load %arg13[%get3A_252, %get3A_253] {strides = array<i32>} : memref<128x144xf32, #tpu.memory_space<vmem>>, vector<1x16xf32>,
        %get3A_255 = vector.shape_cast %get3A_254 : vector<1x16xf32> to vector<16xf32>
        %mul3A_256 = arith.mulf %get3A_255, %gather3A_241 : vector<16xf32>
        %swap3A_257 = arith.index_cast %scan3A_199 : i32 to index
        %swap3A_258 = arith.constant 16 : index
        %swap3A_259 = tpu.vector_load %arg13[%swap3A_257, %swap3A_258] {strides = array<i32>} : memref<128x144xf32, #tpu.memory_space<vmem>>, vector<1x16xf32>,
        %swap3A_260 = vector.shape_cast %swap3A_259 : vector<1x16xf32> to vector<16xf32>
        %swap3A_261 = vector.shape_cast %mul3A_256 : vector<16xf32> to vector<1x16xf32>
        tpu.vector_store %arg13[%swap3A_257, %swap3A_258], %swap3A_261 {strides = array<i32>} : memref<128x144xf32, #tpu.memory_space<vmem>>, vector<1x16xf32>,
        %get3A_262 = arith.index_cast %scan3A_199 : i32 to index
        %get3A_263 = arith.constant 32 : index
        %get3A_264 = tpu.vector_load %arg13[%get3A_262, %get3A_263] {strides = array<i32>} : memref<128x144xf32, #tpu.memory_space<vmem>>, vector<1x16xf32>,
        %get3A_265 = vector.shape_cast %get3A_264 : vector<1x16xf32> to vector<16xf32>
        %mul3A_266 = arith.mulf %get3A_265, %gather3A_241 : vector<16xf32>
        %swap3A_267 = arith.index_cast %scan3A_199 : i32 to index
        %swap3A_268 = arith.constant 32 : index
        %swap3A_269 = tpu.vector_load %arg13[%swap3A_267, %swap3A_268] {strides = array<i32>} : memref<128x144xf32, #tpu.memory_space<vmem>>, vector<1x16xf32>,
        %swap3A_270 = vector.shape_cast %swap3A_269 : vector<1x16xf32> to vector<16xf32>
        %swap3A_271 = vector.shape_cast %mul3A_266 : vector<16xf32> to vector<1x16xf32>
        tpu.vector_store %arg13[%swap3A_267, %swap3A_268], %swap3A_271 {strides = array<i32>} : memref<128x144xf32, #tpu.memory_space<vmem>>, vector<1x16xf32>,
        %get3A_272 = arith.index_cast %scan3A_199 : i32 to index
        %get3A_273 = arith.constant 48 : index
        %get3A_274 = tpu.vector_load %arg13[%get3A_272, %get3A_273] {strides = array<i32>} : memref<128x144xf32, #tpu.memory_space<vmem>>, vector<1x16xf32>,
        %get3A_275 = vector.shape_cast %get3A_274 : vector<1x16xf32> to vector<16xf32>
        %mul3A_276 = arith.mulf %get3A_275, %gather3A_241 : vector<16xf32>
        %swap3A_277 = arith.index_cast %scan3A_199 : i32 to index
        %swap3A_278 = arith.constant 48 : index
        %swap3A_279 = tpu.vector_load %arg13[%swap3A_277, %swap3A_278] {strides = array<i32>} : memref<128x144xf32, #tpu.memory_space<vmem>>, vector<1x16xf32>,
        %swap3A_280 = vector.shape_cast %swap3A_279 : vector<1x16xf32> to vector<16xf32>
        %swap3A_281 = vector.shape_cast %mul3A_276 : vector<16xf32> to vector<1x16xf32>
        tpu.vector_store %arg13[%swap3A_277, %swap3A_278], %swap3A_281 {strides = array<i32>} : memref<128x144xf32, #tpu.memory_space<vmem>>, vector<1x16xf32>,
        %get3A_282 = arith.index_cast %scan3A_199 : i32 to index
        %get3A_283 = arith.constant 64 : index
        %get3A_284 = tpu.vector_load %arg13[%get3A_282, %get3A_283] {strides = array<i32>} : memref<128x144xf32, #tpu.memory_space<vmem>>, vector<1x16xf32>,
        %get3A_285 = vector.shape_cast %get3A_284 : vector<1x16xf32> to vector<16xf32>
        %mul3A_286 = arith.mulf %get3A_285, %gather3A_241 : vector<16xf32>
        %swap3A_287 = arith.index_cast %scan3A_199 : i32 to index
        %swap3A_288 = arith.constant 64 : index
        %swap3A_289 = tpu.vector_load %arg13[%swap3A_287, %swap3A_288] {strides = array<i32>} : memref<128x144xf32, #tpu.memory_space<vmem>>, vector<1x16xf32>,
        %swap3A_290 = vector.shape_cast %swap3A_289 : vector<1x16xf32> to vector<16xf32>
        %swap3A_291 = vector.shape_cast %mul3A_286 : vector<16xf32> to vector<1x16xf32>
        tpu.vector_store %arg13[%swap3A_287, %swap3A_288], %swap3A_291 {strides = array<i32>} : memref<128x144xf32, #tpu.memory_space<vmem>>, vector<1x16xf32>,
        %get3A_292 = arith.index_cast %scan3A_199 : i32 to index
        %get3A_293 = arith.constant 80 : index
        %get3A_294 = tpu.vector_load %arg13[%get3A_292, %get3A_293] {strides = array<i32>} : memref<128x144xf32, #tpu.memory_space<vmem>>, vector<1x16xf32>,
        %get3A_295 = vector.shape_cast %get3A_294 : vector<1x16xf32> to vector<16xf32>
        %mul3A_296 = arith.mulf %get3A_295, %gather3A_241 : vector<16xf32>
        %swap3A_297 = arith.index_cast %scan3A_199 : i32 to index
        %swap3A_298 = arith.constant 80 : index
        %swap3A_299 = tpu.vector_load %arg13[%swap3A_297, %swap3A_298] {strides = array<i32>} : memref<128x144xf32, #tpu.memory_space<vmem>>, vector<1x16xf32>,
        %swap3A_300 = vector.shape_cast %swap3A_299 : vector<1x16xf32> to vector<16xf32>
        %swap3A_301 = vector.shape_cast %mul3A_296 : vector<16xf32> to vector<1x16xf32>
        tpu.vector_store %arg13[%swap3A_297, %swap3A_298], %swap3A_301 {strides = array<i32>} : memref<128x144xf32, #tpu.memory_space<vmem>>, vector<1x16xf32>,
        %get3A_302 = arith.index_cast %scan3A_199 : i32 to index
        %get3A_303 = arith.constant 96 : index
        %get3A_304 = tpu.vector_load %arg13[%get3A_302, %get3A_303] {strides = array<i32>} : memref<128x144xf32, #tpu.memory_space<vmem>>, vector<1x16xf32>,
        %get3A_305 = vector.shape_cast %get3A_304 : vector<1x16xf32> to vector<16xf32>
        %mul3A_306 = arith.mulf %get3A_305, %gather3A_241 : vector<16xf32>
        %swap3A_307 = arith.index_cast %scan3A_199 : i32 to index
        %swap3A_308 = arith.constant 96 : index
        %swap3A_309 = tpu.vector_load %arg13[%swap3A_307, %swap3A_308] {strides = array<i32>} : memref<128x144xf32, #tpu.memory_space<vmem>>, vector<1x16xf32>,
        %swap3A_310 = vector.shape_cast %swap3A_309 : vector<1x16xf32> to vector<16xf32>
        %swap3A_311 = vector.shape_cast %mul3A_306 : vector<16xf32> to vector<1x16xf32>
        tpu.vector_store %arg13[%swap3A_307, %swap3A_308], %swap3A_311 {strides = array<i32>} : memref<128x144xf32, #tpu.memory_space<vmem>>, vector<1x16xf32>,
        %get3A_312 = arith.index_cast %scan3A_199 : i32 to index
        %get3A_313 = arith.constant 112 : index
        %get3A_314 = tpu.vector_load %arg13[%get3A_312, %get3A_313] {strides = array<i32>} : memref<128x144xf32, #tpu.memory_space<vmem>>, vector<1x16xf32>,
        %get3A_315 = vector.shape_cast %get3A_314 : vector<1x16xf32> to vector<16xf32>
        %mul3A_316 = arith.mulf %get3A_315, %gather3A_241 : vector<16xf32>
        %swap3A_317 = arith.index_cast %scan3A_199 : i32 to index
        %swap3A_318 = arith.constant 112 : index
        %swap3A_319 = tpu.vector_load %arg13[%swap3A_317, %swap3A_318] {strides = array<i32>} : memref<128x144xf32, #tpu.memory_space<vmem>>, vector<1x16xf32>,
        %swap3A_320 = vector.shape_cast %swap3A_319 : vector<1x16xf32> to vector<16xf32>
        %swap3A_321 = vector.shape_cast %mul3A_316 : vector<16xf32> to vector<1x16xf32>
        tpu.vector_store %arg13[%swap3A_317, %swap3A_318], %swap3A_321 {strides = array<i32>} : memref<128x144xf32, #tpu.memory_space<vmem>>, vector<1x16xf32>,
        %get3A_322 = arith.index_cast %scan3A_199 : i32 to index
        %get3A_323 = arith.constant 128 : index
        %get3A_324 = tpu.vector_load %arg13[%get3A_322, %get3A_323] {strides = array<i32>} : memref<128x144xf32, #tpu.memory_space<vmem>>, vector<1x16xf32>,
        %get3A_325 = vector.shape_cast %get3A_324 : vector<1x16xf32> to vector<16xf32>
        %mul3A_326 = arith.mulf %get3A_325, %gather3A_241 : vector<16xf32>
        %swap3A_327 = arith.index_cast %scan3A_199 : i32 to index
        %swap3A_328 = arith.constant 128 : index
        %swap3A_329 = tpu.vector_load %arg13[%swap3A_327, %swap3A_328] {strides = array<i32>} : memref<128x144xf32, #tpu.memory_space<vmem>>, vector<1x16xf32>,
        %swap3A_330 = vector.shape_cast %swap3A_329 : vector<1x16xf32> to vector<16xf32>
        %swap3A_331 = vector.shape_cast %mul3A_326 : vector<16xf32> to vector<1x16xf32>
        tpu.vector_store %arg13[%swap3A_327, %swap3A_328], %swap3A_331 {strides = array<i32>} : memref<128x144xf32, #tpu.memory_space<vmem>>, vector<1x16xf32>,
      }
      %scan3A_198 = arith.constant 128 : i32
      "tpu.region"() ({
        %run_scoped3A = tpu.sem_alloc : memref<!tpu.dma_semaphore, #tpu.memory_space<semaphore_mem>>
        %dma_start3A_199 = arith.constant 0 : i32
        %dma_start3A_200 = arith.constant 0 : i32
        %dma_start3A_201 = tpu.memref_slice %arg15[%dma_start3A_199, %dma_start3A_200] : memref<10240x144xf32, #tpu.memory_space<vmem_shared>> -> memref<10240x144xf32, #tpu.memory_space<vmem_shared>>
        tpu.enqueue_indirect_dma source(%arg13 : memref<128x144xf32, #tpu.memory_space<vmem>>) target(%dma_start3A_201 : memref<10240x144xf32, #tpu.memory_space<vmem_shared>>) offsets(%arg11 : memref<128xi32, #tpu.memory_space<vmem>>) semaphore(%run_scoped3A : memref<!tpu.dma_semaphore, #tpu.memory_space<semaphore_mem>>) {add = true}
        %dma_wait3A_202 = arith.constant 0 : i32
        %dma_wait3A_203 = arith.constant 0 : i32
        %dma_wait3A_204 = tpu.memref_slice %arg15[%dma_wait3A_202, %dma_wait3A_203] : memref<10240x144xf32, #tpu.memory_space<vmem_shared>> -> memref<10240x144xf32, #tpu.memory_space<vmem_shared>>
        tpu.wait_indirect_dma semaphore(%run_scoped3A : memref<!tpu.dma_semaphore, #tpu.memory_space<semaphore_mem>>) src(%arg13 : memref<128x144xf32, #tpu.memory_space<vmem>>) dst(%dma_wait3A_204 : memref<10240x144xf32, #tpu.memory_space<vmem_shared>>)
        tpu.yield
      }) : () -> ()
    }
    %scan3A_22 = arith.constant 81 : i32
    %barrier3A_23 = arith.constant 0 : index
    tpu.barrier barrier_id(%barrier3A_23)
    %scan3A_24 = arith.constant 0 : i32
    %scan3A_25 = arith.constant 0 : i32
    %scan3A_26 = arith.constant 10 : i32
    %scan3A_27 = arith.addi %scan3A_25, %scan3A_26 : i32
    %scan3A_28 = arith.constant 1 : i32
    scf.for %scan3A_30 = %scan3A_25 to %scan3A_27 step %scan3A_28  : i32 {
      %mul3A_31 = arith.constant 64 : i32
      %mul3A_32 = arith.muli %scan3A_30, %mul3A_31 : i32
      %add3A_33 = arith.addi %mul3A_2, %mul3A_32 : i32
      "tpu.region"() ({
        %run_scoped3A = tpu.sem_alloc : memref<!tpu.dma_semaphore, #tpu.memory_space<semaphore_mem>>
        %dma_start3A = arith.constant 0 : i32
        %dma_start3A_37 = tpu.memref_slice %arg15[%add3A_33, %dma_start3A] : memref<10240x144xf32, #tpu.memory_space<vmem_shared>> -> memref<64x144xf32, #tpu.memory_space<vmem_shared>>
        %dma_start3A_38 = arith.constant 0 : i32
        %dma_start3A_39 = tpu.memref_slice %arg15[%add3A_33, %dma_start3A_38] : memref<10240x144xf32, #tpu.memory_space<vmem_shared>> -> memref<64x144xf32, #tpu.memory_space<vmem_shared>>
        tpu.enqueue_dma source(%dma_start3A_39 : memref<64x144xf32, #tpu.memory_space<vmem_shared>>) target(%arg14 : memref<64x144xf32, #tpu.memory_space<vmem>>) target_semaphore(%run_scoped3A : memref<!tpu.dma_semaphore, #tpu.memory_space<semaphore_mem>>)
        %dma_wait3A = arith.constant 0 : i32
        %dma_wait3A_40 = tpu.memref_slice %arg15[%add3A_33, %dma_wait3A] : memref<10240x144xf32, #tpu.memory_space<vmem_shared>> -> memref<64x144xf32, #tpu.memory_space<vmem_shared>>
        %dma_wait3A_41 = arith.constant 0 : i32
        %dma_wait3A_42 = tpu.memref_slice %arg15[%add3A_33, %dma_wait3A_41] : memref<10240x144xf32, #tpu.memory_space<vmem_shared>> -> memref<64x144xf32, #tpu.memory_space<vmem_shared>>
        tpu.wait_dma2 semaphore(%run_scoped3A : memref<!tpu.dma_semaphore, #tpu.memory_space<semaphore_mem>>) src(%dma_wait3A_42 : memref<64x144xf32, #tpu.memory_space<vmem_shared>>) dst(%arg14 : memref<64x144xf32, #tpu.memory_space<vmem>>)
        tpu.yield
      }) : () -> ()
      %mul3A_34 = arith.constant 64 : i32
      %mul3A_35 = arith.muli %scan3A_30, %mul3A_34 : i32
      %add3A_36 = arith.addi %mul3A_2, %mul3A_35 : i32
      "tpu.region"() ({
        %run_scoped3A = tpu.sem_alloc : memref<!tpu.dma_semaphore, #tpu.memory_space<semaphore_mem>>
        %dma_start3A = arith.constant 0 : i32
        %dma_start3A_37 = tpu.memref_slice %arg7[%arg0, %add3A_36, %dma_start3A] : memref<2x10240x144xf32, #tpu.memory_space<hbm>> -> memref<1x64x144xf32, #tpu.memory_space<hbm>>
        %dma_start3A_38 = tpu.memref_squeeze %dma_start3A_37 : memref<1x64x144xf32, #tpu.memory_space<hbm>> -> memref<64x144xf32, #tpu.memory_space<hbm>>
        %dma_start3A_39 = arith.constant 0 : i32
        %dma_start3A_40 = tpu.memref_slice %arg7[%arg0, %add3A_36, %dma_start3A_39] : memref<2x10240x144xf32, #tpu.memory_space<hbm>> -> memref<1x64x144xf32, #tpu.memory_space<hbm>>
        %dma_start3A_41 = tpu.memref_squeeze %dma_start3A_40 : memref<1x64x144xf32, #tpu.memory_space<hbm>> -> memref<64x144xf32, #tpu.memory_space<hbm>>
        tpu.enqueue_dma source(%arg14 : memref<64x144xf32, #tpu.memory_space<vmem>>) target(%dma_start3A_41 : memref<64x144xf32, #tpu.memory_space<hbm>>) target_semaphore(%run_scoped3A : memref<!tpu.dma_semaphore, #tpu.memory_space<semaphore_mem>>)
        %dma_wait3A = arith.constant 0 : i32
        %dma_wait3A_42 = tpu.memref_slice %arg7[%arg0, %add3A_36, %dma_wait3A] : memref<2x10240x144xf32, #tpu.memory_space<hbm>> -> memref<1x64x144xf32, #tpu.memory_space<hbm>>
        %dma_wait3A_43 = tpu.memref_squeeze %dma_wait3A_42 : memref<1x64x144xf32, #tpu.memory_space<hbm>> -> memref<64x144xf32, #tpu.memory_space<hbm>>
        %dma_wait3A_44 = arith.constant 0 : i32
        %dma_wait3A_45 = tpu.memref_slice %arg7[%arg0, %add3A_36, %dma_wait3A_44] : memref<2x10240x144xf32, #tpu.memory_space<hbm>> -> memref<1x64x144xf32, #tpu.memory_space<hbm>>
        %dma_wait3A_46 = tpu.memref_squeeze %dma_wait3A_45 : memref<1x64x144xf32, #tpu.memory_space<hbm>> -> memref<64x144xf32, #tpu.memory_space<hbm>>
        tpu.wait_dma2 semaphore(%run_scoped3A : memref<!tpu.dma_semaphore, #tpu.memory_space<semaphore_mem>>) src(%arg14 : memref<64x144xf32, #tpu.memory_space<vmem>>) dst(%dma_wait3A_46 : memref<64x144xf32, #tpu.memory_space<hbm>>)
        tpu.yield
      }) : () -> ()
    }
    %scan3A_29 = arith.constant 10 : i32
    return
  }
}

module attributes {stable_mosaic.version = 14 : i64} {
  func.func @_pre_body(%arg0: memref<10240x128xf32, #tpu.memory_space<vmem>>, %arg1: memref<128x128xf32, #tpu.memory_space<vmem>>, %arg2: memref<1x128xf32, #tpu.memory_space<vmem>>, %arg3: memref<1x128xf32, #tpu.memory_space<vmem>>, %arg4: memref<10240x144xf32, #tpu.memory_space<vmem>>, %arg5: memref<10240xf32, #tpu.memory_space<vmem>>, %arg6: memref<10240xf32, #tpu.memory_space<vmem>>) attributes {dimension_semantics = [], scalar_prefetch = 0 : i64, scratch_operands = 0 : i64, tpu.core_type = #tpu.core_type<tc>} {
    %get3A = arith.constant 0 : index
    %get3A_0 = arith.constant 0 : index
    %get3A_1 = vector.load %arg0[%get3A, %get3A_0] : memref<10240x128xf32, #tpu.memory_space<vmem>>, vector<10240x128xf32>
    %get3A_2 = arith.constant 0 : index
    %get3A_3 = arith.constant 0 : index
    %get3A_4 = vector.load %arg1[%get3A_2, %get3A_3] : memref<128x128xf32, #tpu.memory_space<vmem>>, vector<128x128xf32>
    %dot_general3A = arith.constant dense<0.000000e+00> : vector<10240x128xf32>
    %dot_general3A_5 = tpu.matmul %get3A_1, %get3A_4, %dot_general3A {dimension_numbers = #tpu.dot_dimension_numbers<[1], [0], [0], [1], [0, 0, 1, 1], [], []>, transpose_lhs_hint = false} : vector<10240x128xf32>, vector<128x128xf32>, vector<10240x128xf32> -> vector<10240x128xf32>
    %broadcast_in_dim3A = arith.constant 1.000000e+00 : f32
    %broadcast_in_dim3A_6 = vector.broadcast %broadcast_in_dim3A : f32 to vector<10240x1xf32>
    %broadcast_in_dim3A_7 = arith.constant 0.000000e+00 : f32
    %broadcast_in_dim3A_8 = vector.broadcast %broadcast_in_dim3A_7 : f32 to vector<10240x15xf32>
    %concatenate3A = tpu.concatenate %dot_general3A_5, %broadcast_in_dim3A_6, %broadcast_in_dim3A_8 in 1 : vector<10240x128xf32>, vector<10240x1xf32>, vector<10240x15xf32> -> vector<10240x144xf32>
    %swap3A = arith.constant 0 : index
    %swap3A_9 = arith.constant 0 : index
    %swap3A_10 = vector.load %arg4[%swap3A, %swap3A_9] : memref<10240x144xf32, #tpu.memory_space<vmem>>, vector<10240x144xf32>
    tpu.vector_store %arg4[%swap3A, %swap3A_9], %concatenate3A {strides = array<i32>} : memref<10240x144xf32, #tpu.memory_space<vmem>>, vector<10240x144xf32>,
    %get3A_11 = arith.constant 0 : index
    %get3A_12 = arith.constant 0 : index
    %get3A_13 = vector.load %arg2[%get3A_11, %get3A_12] : memref<1x128xf32, #tpu.memory_space<vmem>>, vector<1x128xf32>
    %mul3A = vector.broadcast %get3A_13 : vector<1x128xf32> to vector<10240x128xf32>
    %mul3A_14 = arith.mulf %dot_general3A_5, %mul3A : vector<10240x128xf32>
    %reduce_sum3A = arith.constant dense<0.000000e+00> : vector<10240xf32>
    %reduce_sum3A_15 = vector.multi_reduction <add>, %mul3A_14, %reduce_sum3A [1] : vector<10240x128xf32> to vector<10240xf32>
    %swap3A_16 = arith.constant 0 : index
    %swap3A_17 = vector.load %arg5[%swap3A_16] : memref<10240xf32, #tpu.memory_space<vmem>>, vector<10240xf32>
    tpu.vector_store %arg5[%swap3A_16], %reduce_sum3A_15 {strides = array<i32>} : memref<10240xf32, #tpu.memory_space<vmem>>, vector<10240xf32>,
    %get3A_18 = arith.constant 0 : index
    %get3A_19 = arith.constant 0 : index
    %get3A_20 = vector.load %arg3[%get3A_18, %get3A_19] : memref<1x128xf32, #tpu.memory_space<vmem>>, vector<1x128xf32>
    %mul3A_21 = vector.broadcast %get3A_20 : vector<1x128xf32> to vector<10240x128xf32>
    %mul3A_22 = arith.mulf %dot_general3A_5, %mul3A_21 : vector<10240x128xf32>
    %reduce_sum3A_23 = arith.constant dense<0.000000e+00> : vector<10240xf32>
    %reduce_sum3A_24 = vector.multi_reduction <add>, %mul3A_22, %reduce_sum3A_23 [1] : vector<10240x128xf32> to vector<10240xf32>
    %swap3A_25 = arith.constant 0 : index
    %swap3A_26 = vector.load %arg6[%swap3A_25] : memref<10240xf32, #tpu.memory_space<vmem>>, vector<10240xf32>
    tpu.vector_store %arg6[%swap3A_25], %reduce_sum3A_24 {strides = array<i32>} : memref<10240xf32, #tpu.memory_space<vmem>>, vector<10240xf32>,
    return
  }
}

module attributes {stable_mosaic.version = 14 : i64} {
  func.func @_post_body(%arg0: memref<2x10240x144xf32, #tpu.memory_space<vmem>>, %arg1: memref<1x128xf32, #tpu.memory_space<vmem>>, %arg2: memref<10000x128xf32, #tpu.memory_space<vmem>>) attributes {dimension_semantics = [], scalar_prefetch = 0 : i64, scratch_operands = 0 : i64, tpu.core_type = #tpu.core_type<tc>} {
    %get3A = arith.constant 0 : index
    %get3A_0 = arith.constant 0 : index
    %get3A_1 = arith.constant 0 : index
    %get3A_2 = vector.load %arg0[%get3A, %get3A_0, %get3A_1] : memref<2x10240x144xf32, #tpu.memory_space<vmem>>, vector<1x10240x144xf32>
    %get3A_3 = vector.shape_cast %get3A_2 : vector<1x10240x144xf32> to vector<10240x144xf32>
    %get3A_4 = arith.constant 1 : index
    %get3A_5 = arith.constant 0 : index
    %get3A_6 = arith.constant 0 : index
    %get3A_7 = vector.load %arg0[%get3A_4, %get3A_5, %get3A_6] : memref<2x10240x144xf32, #tpu.memory_space<vmem>>, vector<1x10240x144xf32>
    %get3A_8 = vector.shape_cast %get3A_7 : vector<1x10240x144xf32> to vector<10240x144xf32>
    %add3A = arith.addf %get3A_3, %get3A_8 : vector<10240x144xf32>
    %slice3A = vector.extract_strided_slice %add3A {offsets = [0, 0], sizes = [10000, 128], strides = [1, 1]} : vector<10240x144xf32> to vector<10000x128xf32>
    %slice3A_9 = vector.extract_strided_slice %add3A {offsets = [0, 128], sizes = [10000, 1], strides = [1, 1]} : vector<10240x144xf32> to vector<10000x1xf32>
    %div3A = vector.broadcast %slice3A_9 : vector<10000x1xf32> to vector<10000x128xf32>
    %div3A_10 = arith.divf %slice3A, %div3A : vector<10000x128xf32>
    %get3A_11 = arith.constant 0 : index
    %get3A_12 = arith.constant 0 : index
    %get3A_13 = vector.load %arg1[%get3A_11, %get3A_12] : memref<1x128xf32, #tpu.memory_space<vmem>>, vector<1x128xf32>
    %add3A_14 = vector.broadcast %get3A_13 : vector<1x128xf32> to vector<10000x128xf32>
    %add3A_15 = arith.addf %div3A_10, %add3A_14 : vector<10000x128xf32>
    %max3A = arith.constant 0.000000e+00 : f32
    %max3A_16 = vector.broadcast %max3A : f32 to vector<10000x128xf32>
    %max3A_17 = arith.maximumf %add3A_15, %max3A_16 : vector<10000x128xf32>
    %swap3A = arith.constant 0 : index
    %swap3A_18 = arith.constant 0 : index
    %swap3A_19 = vector.load %arg2[%swap3A, %swap3A_18] : memref<10000x128xf32, #tpu.memory_space<vmem>>, vector<10000x128xf32>
    tpu.vector_store %arg2[%swap3A, %swap3A_18], %max3A_17 {strides = array<i32>} : memref<10000x128xf32, #tpu.memory_space<vmem>>, vector<10000x128xf32>,
    return
  }
}

</mosaic_0001>

<sc_bundles>
// kernel: kernel.5.cloned.1.call-start
scs
__scs_entry_jumppad:
0x0: {  	(pc) =	sbr.rel $0x88, $3  }
0x1: {  	(tag) =	ssettag $0x0;
	lr =	simm.s32 $0x1  }
0x2: {  	[smem:$0x3F9B] =	sst lr;
	_ =	strace $0xD0000000  }
0x3: {  	_ = 	snop  }
0x4: {  	_ = 	snop  }
0x5: {  	_ = 	snop  }
0x6: {  	_ = 	snop  }
0x7: {  	_ = 	snop  }
__scs_overlays_trampoline_lowered:
0x8: {  	[smem:$0x3FAA] =	sst s0  }
0x9: {  	[smem:$0x3FAB] =	sst s1  }
0xa: {  	[smem:$0x3FAC] =	sst s2  }
0xb: {  	[smem:$0x3FAD] =	sst s3  }
0xc: {  	[smem:$0x3FAE] =	sst s4  }
0xd: {  	[smem:$0x3FAF] =	sst s5  }
0xe: {  	[smem:$0x3FB0] =	sst s6  }
0xf: {  	[smem:$0x3FB1] =	sst s7  }
0x10: {  	[smem:$0x3FB2] =	sst s8  }
0x11: {  	[smem:$0x3FB3] =	sst s9;
	s0 =	simm.s32 @!p0 $0x0  }
0x12: {  	s1 =	sld [smem:$0x3F99];
	s0 =	simm.s32 @p0 $0x1  }
0x13: {  	[smem:$0x3FB4] =	sst s0;
	s0 =	simm.s32 @!p1 $0x0  }
0x14: {  	s2 =	sld [smem:$0x3F98];
	s0 =	simm.s32 @p1 $0x1  }
0x15: {  	[smem:$0x3FB5] =	sst s0;
	s0 =	simm.s32 @!p2 $0x0  }
0x16: {  	s3 =	sld [smem:$0x3FDB];
	s0 =	simm.s32 @p2 $0x1  }
0x17: {  	s4 =	simm.s32 $0x1BF5;
	[smem:$0x3FB7] =	sst s0  }
0x18: {  	s0 =	sld [smem:$0x3F9A];
	_ =	swait.ge [sflag:s4], $0x0  }
0x19: {  	s7 =	sld [smem:$0x3F9B]  }
0x1a: {  	s8 =	sadd.s32 $0xFFFFE003, lr  }
0x1b: {  	s9 =	sadd.s32 $0xFFFFFEF7, lr;
	s5 =	simm.s32 $0xFFFFFFFF;
	p2 =	slt.u32 s8, $0xFFFFF086  }
0x1c: {  	p1 =	slt.u32 s9, $0xF7A;
	s5 =	simm.s32 @!p2 $0x0  }
0x1d: {  	s5 =	simm.s32 @p1 $0x1;
	p0 =	seq.s32 s7, s2  }
0x1e: {  	s7 =	smul.u32 @!p0 $0xF7A, s2;
	p2 =	seq.s32 @!p0 s5, $0x0  }
0x1f: {  	s9 =	smul.u32 $0xF7A, s1;
	s8 =	simm.s32 @!p0 $0x1BF5;
	p2 =	por !p2, p0  }
0x20: {  	[sflag:s8] =	ssyncset.s32 @!p0 $0xFFFFF086;
	s6 =	sadd.s32 @!p0 s3, s7;
	s7 =	simm.s32 @!p0 $0x108  }
0x21: {  	s3 =	sadd.s32 s3, s9;
	s6 =	sadd.s32 @!p0 $0x88, s6;
	s7 =	simm.s32 @p2 $0x1082  }
0x22: {  	[simem:s7], [sflag:s8] =	dma.local @!p0 [hbm:s6], $0xF7A  }
0x23: {  	s9 =	sor.u32 $0xD0000000, s2;
	s6 =	simm.s32 $0x108;
	_ =	swait.ge @!p0 [sflag:s8], $0x0  }
0x24: {  	s3 =	sadd.s32 $0x88, s3;
	s6 =	simm.s32 @!p1 $0x1082;
	[sflag:s4] =	ssyncset.s32 $0xFFFFF086  }
0x25: {  	[simem:s6], [sflag:s4] =	dma.local [hbm:s3], $0xF7A  }
0x26: {  	[smem:$0x3F9B] =	sst s1;
	(tag) =	ssettag s2;
	_ =	strace s9  }
0x27: {  	s1 =	sld [smem:$0x3FAB]  }
0x28: {  	s2 =	sld [smem:$0x3FAC]  }
0x29: {  	s4 =	sld [smem:$0x3FAE]  }
0x2a: {  	p0 =	seq.s32 s5, $0x0;
	s5 =	sld [smem:$0x3FAF]  }
0x2b: {  	s6 =	sld [smem:$0x3FB0]  }
0x2c: {  	s7 =	sld [smem:$0x3FB1]  }
0x2d: {  	s3 =	simm.s32 $0x108;
	s8 =	sld [smem:$0x3FB2]  }
0x2e: {  	s3 =	simm.s32 @!p0 $0x1082;
	s9 =	sld [smem:$0x3FB3]  }
0x2f: {  	lr =	sadd.s32 s0, s3;
	s0 =	sld [smem:$0x3FAA]  }
0x30: {  	s3 =	sld [smem:$0x3FAD]  }
0x31: {  	[smem:$0x3FB6] =	sst s10  }
0x32: {  	s10 =	sld [smem:$0x3FB4];
	_ =	sdelay $0x3  }
0x33: {  	p0 =	seq.s32 s10, $0x1;
	s10 =	sld [smem:$0x3FB6];
	_ =	sdelay $0x3  }
0x34: {  	[smem:$0x3FB6] =	sst s10  }
0x35: {  	s10 =	sld [smem:$0x3FB5];
	_ =	sdelay $0x3  }
0x36: {  	p1 =	seq.s32 s10, $0x1;
	s10 =	sld [smem:$0x3FB6];
	_ =	sdelay $0x3  }
0x37: {  	[smem:$0x3FB6] =	sst s10  }
0x38: {  	s10 =	sld [smem:$0x3FB7]  }
0x39: {  	_ = 	snop;
	(pc) =	sbr.ind lr, $3  }
0x3a: {  	_ = 	snop  }
0x3b: {  	_ = 	snop  }
0x3c: {  	p2 =	seq.s32 s10, $0x1;
	s10 =	sld [smem:$0x3FB6]  }
0x3d: {  	_ =	shalt  }
0x3e: {  	_ =	shalt  }
0x3f: {  	_ =	shalt  }
0x40: {  	_ =	shalt  }
0x41: {  	_ =	shalt  }
0x42: {  	_ =	shalt  }
0x43: {  	_ =	shalt  }
0x44: {  	_ =	shalt  }
0x45: {  	_ =	shalt  }
0x46: {  	_ =	shalt  }
0x47: {  	_ =	shalt  }
0x48: {  	_ =	shalt  }
0x49: {  	_ =	shalt  }
0x4a: {  	_ =	shalt  }
0x4b: {  	_ =	shalt  }
0x4c: {  	_ =	shalt  }
0x4d: {  	_ =	shalt  }
0x4e: {  	_ =	shalt  }
0x4f: {  	_ =	shalt  }
0x50: {  	_ =	shalt  }
0x51: {  	_ =	shalt  }
0x52: {  	_ =	shalt  }
0x53: {  	_ =	shalt  }
0x54: {  	_ =	shalt  }
0x55: {  	_ =	shalt  }
0x56: {  	_ =	shalt  }
0x57: {  	_ =	shalt  }
0x58: {  	_ =	shalt  }
0x59: {  	_ =	shalt  }
0x5a: {  	_ =	shalt  }
0x5b: {  	_ =	shalt  }
0x5c: {  	_ =	shalt  }
0x5d: {  	_ =	shalt  }
0x5e: {  	_ =	shalt  }
0x5f: {  	_ =	shalt  }
0x60: {  	_ =	shalt  }
0x61: {  	_ =	shalt  }
0x62: {  	_ =	shalt  }
0x63: {  	_ =	shalt  }
0x64: {  	_ =	shalt  }
0x65: {  	_ =	shalt  }
0x66: {  	_ =	shalt  }
0x67: {  	_ =	shalt  }
0x68: {  	_ =	shalt  }
0x69: {  	_ =	shalt  }
0x6a: {  	_ =	shalt  }
0x6b: {  	_ =	shalt  }
0x6c: {  	_ =	shalt  }
0x6d: {  	_ =	shalt  }
0x6e: {  	_ =	shalt  }
0x6f: {  	_ =	shalt  }
0x70: {  	_ =	shalt  }
0x71: {  	_ =	shalt  }
0x72: {  	_ =	shalt  }
0x73: {  	_ =	shalt  }
0x74: {  	_ =	shalt  }
0x75: {  	_ =	shalt  }
0x76: {  	_ =	shalt  }
0x77: {  	_ =	shalt  }
0x78: {  	_ =	shalt  }
0x79: {  	_ =	shalt  }
0x7a: {  	_ =	shalt  }
0x7b: {  	_ =	shalt  }
0x7c: {  	_ =	shalt  }
0x7d: {  	_ =	shalt  }
0x7e: {  	_ =	shalt  }
0x7f: {  	_ =	shalt  }
0x80: {  	_ =	shalt  }
0x81: {  	_ =	shalt  }
0x82: {  	_ =	shalt  }
0x83: {  	_ =	shalt  }
0x84: {  	_ =	shalt  }
0x85: {  	_ =	shalt  }
0x86: {  	_ =	shalt  }
0x87: {  	_ =	shalt  }
.Lfunc_end0:
.L_simem_size_0:
called_computation_lowered:
.L_overlay_start_0:
0x88: {  	s2 =	sld [smem:$0x3FD9]  }
0x89: {  	s3 =	sld [smem:$0x3FFE];
	_ =	sdelay $0x1  }
0x8a: {  	s1 =	srdreg.scid  }
0x8b: {  	s0 =	sand.u32 $0x1, s1  }
0x8c: {  	s17 =	sshll.u32 s0, $0xA;
	s2 =	sadd.s32 s3, s2  }
0x8d: {  	s2 =	sadd.s32 s2, s17  }
0x8e: {  	[smem:$0x3FC2] =	sst s2  }
0x8f: {  	_ = 	snop  }
0x90: {  	s2 =	sld [smem:$0x3FD0];
	(tm) =	ssettm $0x1  }
0x91: {  	s18 =	sld [smem:$0x3FFB];
	_ =	sdelay $0x3  }
0x92: {  	_ =	strace s18  }
0x93: {  	s3 =	sld [smem:$0x3FFC];
	_ =	sdelay $0x3  }
0x94: {  	_ =	strace s3  }
0x95: {  	s3 =	sld [smem:$0x3FFD];
	_ =	sdelay $0x3  }
0x96: {  	_ =	strace s3  }
0x97: {  	_ =	strace $0x8FFFFFFF  }
0x98: {  	s19 =	sld [smem:$0x3FDB];
	_ =	sdelay $0x1  }
0x99: {  	s4 =	simm.s32 $_scs_section_size  }
0x9a: {  	s5 =	simm.s32 $_size__tile_overlayer_lowered;
	s6 =	simm.s32 $_tile_overlayer_lowered  }
0x9b: {  	s22 =	simm.s32 $0x1BFF;
	s21 =	sshll.u32 s6, $0x1;
	s3 =	sadd.s32 s4, s19  }
0x9c: {  	s7 =	simm.s32 $0x0;
	s20 =	sshll.u32 s5, $0x1;
	s5 =	sadd.s32 s21, s3  }
0x9d: {  	[timem:s7], [sflag:s22] =	dma.local [hbm:s5], s20  }
0x9e: {  	_ =	swait.ge [sflag:s22], s20  }
0x9f: {  	s4 =	ssub.s32 $0x0, s20;
	[sflag:s22] =	ssyncset.done $0x0  }
0xa0: {  	[sflag:s22] =	ssyncadd.s32 s4;
	_ =	sdelay $0x1  }
0xa1: {  	s23 =	simm.s32 $0x1B8B  }
0xa2: {  	_ =	swait.ge [sflag:s23], $0x1  }
0xa3: {  	[sflag:s23] =	ssyncset.done $0x0  }
0xa4: {  	s25 =	simm.s32 $0x1B8E;
	s24 =	sld [smem:$0x3FFE];
	[sflag:s23] =	ssyncadd.s32 $0xFFFFFFFF  }
0xa5: {  	s26 =	simm.s32 $execute0_lowered;
	[smem:$0x3FD2] =	sst s25  }
0xa6: {  	s5 =	sshll.u32 s26, $0x1;
	_ =	strace $0x80000046;
	[dreg:$0x1] =	wrdreg $0xFFFFFFFF  }
0xa7: {  	s28 =	simm.s32 $_size_execute0_lowered;
	s3 =	sadd.s32 s3, s5;
	[dreg:$0x0] =	wrdreg $0x0  }
0xa8: {  	s5 =	sshll.u32 s28, $0x1;
	[dreg:$0x2] =	wrdreg s3  }
0xa9: {  	[dreg:$0x3] =	wrdreg s5  }
0xaa: {  	[dreg:$0x4] =	wrdreg $0xC0  }
0xab: {  	_ =	task [dreg:s7], $0x5FFFF  }
0xac: {  	[dreg:$0x1] =	wrdreg $0xFFFFFFFF  }
0xad: {  	[dreg:$0x0] =	wrdreg $0x60  }
0xae: {  	[dreg:$0x2] =	wrdreg s24  }
0xaf: {  	[dreg:$0x3] =	wrdreg s2  }
0xb0: {  	[dreg:$0x4] =	wrdreg $0x6E800  }
0xb1: {  	[dreg:$0x5] =	wrdreg $0x9  }
0xb2: {  	_ =	task.clear_ibuf [dreg:s7], $0x6FFFF;
	_ =	strace $0x90000046  }
0xb3: {  	s29 =	simm.s32 $0x9;
	_ =	strace $0x80000048  }
0xb4: {  	_ =	swait.ge [sflag:s29], $0x1  }
0xb5: {  	[sflag:s29] =	ssyncadd.s32 $0xFFFFFFFF  }
0xb6: {  	_ =	strace $0x90000048  }
0xb7: {  	_ =	sfence  }
0xb8: {  	s30 =	sld [smem:$0x0];
	_ =	sdelay $0x2  }
0xb9: {  	s31 =	sshll.u32 s1, $0xD;
	s1 =	sshrl.u32 s1, $0x2  }
0xba: {  	s3 =	sand.u32 $0x4000, s31;
	s1 =	sadd.s32 s1, s30  }
0xbb: {  	s0 =	sor.u32 s3, s0;
	s1 =	sshll.u32 s1, $0x11  }
0xbc: {  	s0 =	sor.u32 s1, s0  }
0xbd: {  	s0 =	sadd.s32 $0x8F2B, s0  }
0xbe: {  	[sflag:s0] =	ssyncadd.remote.s32 $0x1  }
0xbf: {  	_ =	sfence.sel $0xFFFF  }
0xc0: {  	[dreg:$0x0] =	wrdreg $0xFFFFFFFF;
	(pc) =	sbr.abs _section_cstart, $3  }
0xc1: {  	[dreg:$0x1] =	wrdreg $0xFFFFFFFF  }
0xc2: {  	_ =	task.clear_ibuf [dreg:s7], $0x2FFFF;
	_ =	strace $0x9FFFFFFF  }
0xc3: {  	(tm) =	ssettm $0x7FFFFFFF  }
tec
execute0_lowered:
.L_overlay_start_1:
0x0: {  	(tag) =	ssettag $0x1  }
0x1: {  	s6 =	rddreg [dreg:$0x0]  }
0x2: {  	s0 =	srdreg.scid;
	s19 =	stileid.u32;
	s1 =	simm.s32 $0x0  }
0x3: {  	s28 =	simm.s32 $0x0;
	s29 =	simm.s32 $0x0;
	s2 =	smul.u32 $0x280, s19  }
0x4: {  	s3 =	sand.u32 $0x1, s0;
	[smem:$0x7FF] =	sst s1;
	s10 =	smul.u32 $0x16800, s19  }
0x5: {  	s14 =	sadd.s32 $0x38A00, s6;
	s9 =	smul.u32 $0x168000, s3;
	s4 =	ssub.s32 $0x2, s3  }
0x6: {  	s12 =	sor.u32 $0x40, s2;
	s5 =	sshrl.u32 s4, $0x1;
	s21 =	sadd.s32 $0x80, s2  }
0x7: {  	s0 =	smul.u32 $0x90, s12;
	s20 =	ssub.s32 s4, s5;
	s15 =	sadd.s32 s9, s10  }
0x8: {  	s2 =	smul.u32 $0x90, s21;
	s4 =	sadd.s32 $0x9000, s10;
	s16 =	sshrl.u32 s15, $0x3  }
0x9: {  	s15 =	sshll.u32 s3, $0x4;
	s26 =	sadd.s32 s9, s4;
	s18 =	sadd.s32 s14, s16  }
0xa: {  	s17 =	sadd.s32 s9, s0;
	s23 =	sadd.s32 s9, s2;
	[dreg:$0x4] =	wrdreg s18  }
0xb: {  	s22 =	sshrl.u32 s17, $0x3;
	s24 =	sshrl.u32 s23, $0x3;
	s23 =	sadd.s32 $0x14400, s10  }
0xc: {  	s3 =	sadd.s32 s14, s22;
	s5 =	sadd.s32 s14, s24;
	s22 =	sadd.s32 $0x12000, s10  }
0xd: {  	s24 =	sor.u32 s19, s15;
	[dreg:$0x5] =	wrdreg s3;
	s3 =	sadd.s32 $0x6C00, s10  }
0xe: {  	[dreg:$0x6] =	wrdreg s5;
	s17 =	sadd.s32 s9, s22;
	s7 =	sadd.s32 s9, s3  }
0xf: {  	s15 =	smul.u32 $0x2880, s24;
	s18 =	sshrl.u32 s17, $0x3;
	s25 =	sshrl.u32 s7, $0x3  }
0x10: {  	s17 =	sadd.s32 $0xAE00, s6;
	s7 =	sshrl.u32 s26, $0x3;
	s5 =	sadd.s32 s14, s25  }
0x11: {  	s7 =	sadd.s32 s14, s7;
	[dreg:$0x7] =	wrdreg s5;
	s5 =	sadd.s32 $0xB400, s10  }
0x12: {  	[dreg:$0x8] =	wrdreg s7;
	s7 =	sadd.s32 $0xD800, s10;
	s8 =	sadd.s32 s9, s5  }
0x13: {  	s26 =	smul.u32 $0x240, s12;
	s13 =	sadd.s32 s9, s7;
	s11 =	sshrl.u32 s8, $0x3  }
0x14: {  	s8 =	sadd.s32 $0xFC00, s10;
	s30 =	sshrl.u32 s13, $0x3;
	s13 =	sadd.s32 s14, s18  }
0x15: {  	s18 =	sadd.s32 $0xB400, s6;
	s11 =	sadd.s32 s14, s11;
	[dreg:$0xc] =	wrdreg s13  }
0x16: {  	s31 =	sadd.s32 s9, s8;
	s9 =	sadd.s32 s9, s23;
	s13 =	rddreg [dreg:$0x2]  }
0x17: {  	[dreg:$0x9] =	wrdreg s11;
	s11 =	sadd.s32 s14, s30;
	s16 =	sshrl.u32 s31, $0x3  }
0x18: {  	s9 =	sshrl.u32 s9, $0x3;
	s25 =	sadd.s32 s10, s13;
	s30 =	smax.u32 s20, $0x1  }
0x19: {  	s31 =	smul.u32 $0x240, s21;
	[dreg:$0xa] =	wrdreg s11;
	s11 =	sadd.s32 s14, s16  }
0x1a: {  	s0 =	sadd.s32 s0, s13;
	s5 =	sadd.s32 s5, s13;
	[dreg:$0xb] =	wrdreg s11  }
0x1b: {  	s9 =	sadd.s32 s14, s9;
	s16 =	sadd.s32 $0xBA00, s6;
	s11 =	rddreg [dreg:$0x1]  }
0x1c: {  	[dreg:$0xd] =	wrdreg s9;
	s9 =	smul.u32 $0x5A000, s19;
	s19 =	sadd.s32 $0xC00, s6  }
0x1d: {  	s6 =	sshrl.u32 s26, $0x2;
	_ =	strace $0x80000047;
	[dreg:$0xe] =	wrdreg s25  }
0x1e: {  	s21 =	sshrl.u32 s31, $0x2;
	[dreg:$0xf] =	wrdreg s30;
	s6 =	sadd.s32 s6, s13  }
0x1f: {  	[dreg:$0x1a] =	wrdreg s0;
	s14 =	sshrl.u32 s9, $0x2;
	s20 =	sadd.s32 $0x1B000, s9  }
0x20: {  	[dreg:$0x11] =	wrdreg s6;
	s6 =	sadd.s32 s21, s13;
	s26 =	sadd.s32 $0x24000, s9  }
0x21: {  	s30 =	sadd.s32 $0x2D000, s9;
	s31 =	sadd.s32 $0x36000, s9;
	s21 =	sadd.s32 $0x48000, s9  }
0x22: {  	s12 =	sadd.s32 s14, s13;
	s24 =	sshrl.u32 s20, $0x2;
	[dreg:$0x12] =	wrdreg s6  }
0x23: {  	s6 =	sshrl.u32 s26, $0x2;
	s10 =	sshrl.u32 s30, $0x2;
	s20 =	sadd.s32 $0x3F000, s9  }
0x24: {  	s9 =	sadd.s32 $0x51000, s9;
	s26 =	sadd.s32 s2, s13;
	[dreg:$0x10] =	wrdreg s12  }
0x25: {  	s30 =	sadd.s32 s3, s13;
	s25 =	sadd.s32 s24, s13;
	[dreg:$0x1b] =	wrdreg s26  }
0x26: {  	s6 =	sadd.s32 s6, s13;
	s12 =	sshrl.u32 s31, $0x2;
	[dreg:$0x1c] =	wrdreg s30  }
0x27: {  	s24 =	sshrl.u32 s21, $0x2;
	s9 =	sshrl.u32 s9, $0x2;
	[dreg:$0x13] =	wrdreg s25  }
0x28: {  	s31 =	sadd.s32 s4, s13;
	s21 =	simm.s32 $0x180;
	[dreg:$0x14] =	wrdreg s6  }
0x29: {  	s26 =	simm.s32 $0x1;
	s6 =	sadd.s32 s10, s13;
	[dreg:$0x1d] =	wrdreg s31  }
0x2a: {  	s14 =	sadd.s32 s12, s13;
	s25 =	sadd.s32 s9, s13;
	[dreg:$0x15] =	wrdreg s6  }
0x2b: {  	s9 =	sadd.s32 s23, s13;
	s12 =	simm.s32 $0x4A80;
	[dreg:$0x16] =	wrdreg s14  }
0x2c: {  	s23 =	simm.s32 $0x280;
	s6 =	sshrl.u32 s20, $0x2;
	[dreg:$0x19] =	wrdreg s25  }
0x2d: {  	s14 =	simm.s32 $0x4;
	s20 =	simm.s32 $0x100;
	s6 =	sadd.s32 s6, s13  }
0x2e: {  	s25 =	simm.s32 $0x3;
	[dreg:$0x17] =	wrdreg s6;
	s6 =	sadd.s32 s24, s13  }
0x2f: {  	s24 =	simm.s32 $0x2;
	[dreg:$0x18] =	wrdreg s6;
	s6 =	sadd.s32 s7, s13  }
0x30: {  	v0 =	vimm.f32 $0.0e+00;
	s7 =	sadd.s32 s8, s13;
	s8 =	sadd.s32 s22, s13;
	s22 =	simm.s32 $0x80  }
.LBB2_1:
0x31: {  	s0 =	simm.s32 $0x0;
	s2 =	simm.s32 $0x240  }
.LBB2_2:
0x32: {  	p0 =	sne.s32 s2, $0x8DC0;
	[tilespmem:s0+$0x4B00] =	vst v0  }
0x33: {  	[tilespmem:s0+$0x4A80] =	vst v0  }
0x34: {  	[tilespmem:s0+$0x4A90] =	vst v0  }
0x35: {  	[tilespmem:s0+$0x4AA0] =	vst v0  }
.Ltmp0:
0x36: {  	[tilespmem:s0+$0x4AB0] =	vst v0;
	(pc) =	sbr.rel @p0 .LBB2_2-.Ltmp0, $4  }
0x37: {  	[tilespmem:s0+$0x4AC0] =	vst v0  }
0x38: {  	[tilespmem:s0+$0x4AD0] =	vst v0  }
0x39: {  	[tilespmem:s0+$0x4AE0] =	vst v0  }
0x3a: {  	[tilespmem:s0+$0x4AF0] =	vst v0;
	s0 =	sshra.s32 s2, $0x2;
	s2 =	sadd.s32 $0x240, s2  }
0x3b: {  	[tilespmem:s0+$0x4B00] =	vst v0  }
0x3c: {  	[tilespmem:s0+$0x4A80] =	vst v0  }
0x3d: {  	[tilespmem:s0+$0x4A90] =	vst v0  }
0x3e: {  	[tilespmem:s0+$0x4AA0] =	vst v0  }
0x3f: {  	[tilespmem:s0+$0x4AB0] =	vst v0  }
0x40: {  	[tilespmem:s0+$0x4AC0] =	vst v0  }
0x41: {  	[tilespmem:s0+$0x4AD0] =	vst v0  }
0x42: {  	[tilespmem:s0+$0x4AE0] =	vst v0  }
0x43: {  	[tilespmem:s0+$0x4AF0] =	vst v0;
	s2 =	rddreg [dreg:$0x10]  }
0x44: {  	[spmem:s2] =	stream.linear.scatter [tilespmem:s12], [sflag:$0x4], $0x2400, $0x38;
	[tilespmem:$0x1D680] =	vst v63  }
0x45: {  	_ =	swait.ge [sflag:s14], $0x2400  }
0x46: {  	[sflag:s14] =	ssyncset.done $0x0  }
0x47: {  	s3 =	rddreg [dreg:$0x11];
	[sflag:s14] =	ssyncadd.s32 $0xFFFFDC00  }
0x48: {  	[spmem:s3] =	stream.linear.scatter [tilespmem:s12], [sflag:$0x4], $0x2400, $0x38;
	[tilespmem:$0x1D680] =	vst v63  }
0x49: {  	_ =	swait.ge [sflag:s14], $0x2400  }
0x4a: {  	[sflag:s14] =	ssyncset.done $0x0  }
0x4b: {  	s4 =	rddreg [dreg:$0x12];
	[sflag:s14] =	ssyncadd.s32 $0xFFFFDC00  }
0x4c: {  	[spmem:s4] =	stream.linear.scatter [tilespmem:s12], [sflag:$0x4], $0x2400, $0x38;
	[tilespmem:$0x1D680] =	vst v63  }
0x4d: {  	_ =	swait.ge [sflag:s14], $0x2400  }
0x4e: {  	[sflag:s14] =	ssyncset.done $0x0  }
0x4f: {  	s10 =	rddreg [dreg:$0x13];
	[sflag:s14] =	ssyncadd.s32 $0xFFFFDC00  }
0x50: {  	[spmem:s10] =	stream.linear.scatter [tilespmem:s12], [sflag:$0x4], $0x2400, $0x38;
	[tilespmem:$0x1D680] =	vst v63  }
0x51: {  	_ =	swait.ge [sflag:s14], $0x2400  }
0x52: {  	[sflag:s14] =	ssyncset.done $0x0  }
0x53: {  	s31 =	rddreg [dreg:$0x14];
	[sflag:s14] =	ssyncadd.s32 $0xFFFFDC00  }
0x54: {  	[spmem:s31] =	stream.linear.scatter [tilespmem:s12], [sflag:$0x4], $0x2400, $0x38;
	[tilespmem:$0x1D680] =	vst v63  }
0x55: {  	_ =	swait.ge [sflag:s14], $0x2400  }
0x56: {  	[sflag:s14] =	ssyncset.done $0x0  }
0x57: {  	s2 =	rddreg [dreg:$0x15];
	[sflag:s14] =	ssyncadd.s32 $0xFFFFDC00  }
0x58: {  	[spmem:s2] =	stream.linear.scatter [tilespmem:s12], [sflag:$0x4], $0x2400, $0x38;
	[tilespmem:$0x1D680] =	vst v63  }
0x59: {  	_ =	swait.ge [sflag:s14], $0x2400  }
0x5a: {  	[sflag:s14] =	ssyncset.done $0x0  }
0x5b: {  	s3 =	rddreg [dreg:$0x16];
	[sflag:s14] =	ssyncadd.s32 $0xFFFFDC00  }
0x5c: {  	[spmem:s3] =	stream.linear.scatter [tilespmem:s12], [sflag:$0x4], $0x2400, $0x38;
	[tilespmem:$0x1D680] =	vst v63  }
0x5d: {  	_ =	swait.ge [sflag:s14], $0x2400  }
0x5e: {  	[sflag:s14] =	ssyncset.done $0x0  }
0x5f: {  	s4 =	rddreg [dreg:$0x17];
	[sflag:s14] =	ssyncadd.s32 $0xFFFFDC00  }
0x60: {  	[spmem:s4] =	stream.linear.scatter [tilespmem:s12], [sflag:$0x4], $0x2400, $0x38;
	[tilespmem:$0x1D680] =	vst v63  }
0x61: {  	_ =	swait.ge [sflag:s14], $0x2400  }
0x62: {  	[sflag:s14] =	ssyncset.done $0x0  }
0x63: {  	s10 =	rddreg [dreg:$0x18];
	[sflag:s14] =	ssyncadd.s32 $0xFFFFDC00  }
0x64: {  	[spmem:s10] =	stream.linear.scatter [tilespmem:s12], [sflag:$0x4], $0x2400, $0x38;
	[tilespmem:$0x1D680] =	vst v63  }
0x65: {  	_ =	swait.ge [sflag:s14], $0x2400  }
0x66: {  	[sflag:s14] =	ssyncset.done $0x0  }
0x67: {  	s31 =	rddreg [dreg:$0x19];
	[sflag:s14] =	ssyncadd.s32 $0xFFFFDC00  }
0x68: {  	[spmem:s31] =	stream.linear.scatter [tilespmem:s12], [sflag:$0x4], $0x2400, $0x38;
	[tilespmem:$0x1D680] =	vst v63  }
0x69: {  	_ =	swait.ge [sflag:s14], $0x2400  }
0x6a: {  	[sflag:s14] =	ssyncset.done $0x0  }
0x6b: {  	[sflag:s14] =	ssyncadd.s32 $0xFFFFDC00  }
0x6c: {  	s30 =	simm.s32 $0x0;
	[bflag:$0x0] =	sbarrier.arrive $0xFFFF  }
.LBB2_4:
0x6d: {  	s0 =	sshll.u32 s30, $0x7  }
0x6e: {  	s0 =	sadd.s32 s15, s0  }
0x6f: {  	s0 =	sshrl.u32 s0, $0x3  }
0x70: {  	s2 =	sadd.s32 s11, s0  }
0x71: {  	[tilespmem:s20], [sflag:$0x4] =	stream.linear.gather [hbm4b:s2+s29], $0x80, $0x38;
	[tilespmem:$0x1D680] =	vst v63  }
0x72: {  	_ =	swait.ge [sflag:s14], $0x80  }
0x73: {  	[sflag:s14] =	ssyncset.done $0x0  }
0x74: {  	s0 =	sadd.s32 s19, s0;
	[sflag:s14] =	ssyncadd.s32 $0xFFFFFF80  }
0x75: {  	[tilespmem:s21], [sflag:$0x4] =	stream.linear.gather [hbm4b:s0+s29], $0x80, $0x38;
	[tilespmem:$0x1D680] =	vst v63  }
0x76: {  	_ =	swait.ge [sflag:s14], $0x80  }
0x77: {  	[sflag:s14] =	ssyncset.done $0x0  }
0x78: {  	[sflag:s14] =	ssyncadd.s32 $0xFFFFFF80  }
0x79: {  	[tilespmem:s23], [sflag:$0x1] =	stream.indirect.gather [hbm4b:s16+s22], $0x90, s20, s22, $0xb8;
	[tilespmem:$0x1D680] =	vst v63  }
0x7a: {  	_ = 	snop  }
0x7b: {  	[tilespmem:s29], [sflag:$0x2] =	stream.indirect.gather [hbm4b:s17+s22], $0x1, s20, s22, $0xb8;
	[tilespmem:$0x1D680] =	vst v63  }
0x7c: {  	_ = 	snop  }
0x7d: {  	[tilespmem:s22], [sflag:$0x3] =	stream.indirect.gather [hbm4b:s18+s22], $0x1, s21, s22, $0xb8;
	[tilespmem:$0x1D680] =	vst v63  }
0x7e: {  	_ =	swait.ge [sflag:s24], $0x80  }
0x7f: {  	[sflag:s24] =	ssyncset.done $0x0  }
0x80: {  	[sflag:s24] =	ssyncadd.s32 $0xFFFFFF80  }
0x81: {  	_ =	swait.ge [sflag:s25], $0x80  }
0x82: {  	[sflag:s25] =	ssyncset.done $0x0  }
0x83: {  	[sflag:s25] =	ssyncadd.s32 $0xFFFFFF80  }
0x84: {  	v1 =	vld [tilespmem:$0x0]  }
0x85: {  	v2 =	vld [tilespmem:$0x80]  }
0x86: {  	v3 =	vld [tilespmem:$0x10]  }
0x87: {  	v4 =	vld [tilespmem:$0x90]  }
0x88: {  	v5 =	vld [tilespmem:$0x20]  }
0x89: {  	v6 =	vld [tilespmem:$0xA0]  }
0x8a: {  	v7 =	vld [tilespmem:$0xB0];
	v1 =	vadd.f32 v2, v1  }
0x8b: {  	v2 =	vld [tilespmem:$0x30]  }
0x8c: {  	v8 =	vmul.f32 $2.000000030e-01, v1  }
0x8d: {  	v9 =	vld [tilespmem:$0x40];
	vm0 =	vgt.f32 v1, $0.0e+00  }
0x8e: {  	v10 =	vld [tilespmem:$0xC0];
	v3 =	vadd.f32 v4, v3;
	v1 =	vsel vm0, v1, v8  }
0x8f: {  	v4 =	vld [tilespmem:$0x50];
	v1 =	vmul.f32 $1.442695020e+00, v1  }
0x90: {  	v5 =	vadd.f32 v6, v5;
	v6 =	vld [tilespmem:$0xD0];
	v8 =	vmul.f32 $2.000000030e-01, v3;
	v2 =	vadd.f32 v7, v2  }
0x91: {  	v11 =	vld [tilespmem:$0xE0];
	vm9 =	vgt.f32 v3, $0.0e+00;
	(erf) = vpow2.f32 v1  }
0x92: {  	v12 =	vld [tilespmem:$0x70];
	v3 =	vsel vm9, v3, v8;
	v1 =	vmul.f32 $2.000000030e-01, v5;
	v8 =	vmul.f32 $2.000000030e-01, v2  }
0x93: {  	vm10 =	vgt.f32 v5, $0.0e+00;
	v7 =	vld [tilespmem:$0x60];
	v3 =	vmul.f32 $1.442695020e+00, v3;
	vm11 =	vgt.f32 v2, $0.0e+00  }
0x94: {  	v1 =	vsel vm10, v5, v1;
	v5 =	vld [tilespmem:$0xF0];
	v2 =	vsel vm11, v2, v8  }
0x95: {  	(erf) = vpow2.f32 v3;
	v3 =	vadd.f32 v6, v4;
	v1 =	vmul.f32 $1.442695020e+00, v1  }
0x96: {  	v8 =	vadd.f32 v10, v9;
	v2 =	vmul.f32 $1.442695020e+00, v2  }
0x97: {  	v4 =	vmul.f32 $2.000000030e-01, v3;
	(erf) = vpow2.f32 v1  }
0x98: {  	v1 =	vmul.f32 $2.000000030e-01, v8;
	(erf) = vpow2.f32 v2;
	v2 =	vadd.f32 v11, v7  }
0x99: {  	vm12 =	vgt.f32 v8, $0.0e+00;
	vm13 =	vgt.f32 v3, $0.0e+00;
	v5 =	vadd.f32 v5, v12  }
0x9a: {  	v3 =	vsel vm13, v3, v4;
	v1 =	vsel vm12, v8, v1;
	v6 =	vmul.f32 $2.000000030e-01, v2  }
0x9b: {  	v1 =	vmul.f32 $1.442695020e+00, v1;
	vm14 =	vgt.f32 v2, $0.0e+00;
	v4 =	vmul.f32 $2.000000030e-01, v5  }
0x9c: {  	v3 =	vmul.f32 $1.442695020e+00, v3;
	vm15 =	vgt.f32 v5, $0.0e+00;
	v2 =	vsel vm14, v2, v6  }
0x9d: {  	(erf) = vpow2.f32 v1;
	v1 =	vmul.f32 $1.442695020e+00, v2;
	v2 =	vsel vm15, v5, v4  }
0x9e: {  	(erf) = vpow2.f32 v3;
	v2 =	vmul.f32 $1.442695020e+00, v2  }
0x9f: {  	(erf) = vpow2.f32 v1  }
0xa0: {  	(erf) = vpow2.f32 v2;
	_ =	sdelay $0x1  }
0xa1: {  	v1 =	vpop (erf)  }
0xa2: {  	v2 =	vpop (erf);
	[tilespmem:$0x200] =	vst v1  }
0xa3: {  	v1 =	vpop (erf);
	[tilespmem:$0x210] =	vst v2  }
0xa4: {  	v2 =	vpop (erf);
	[tilespmem:$0x220] =	vst v1  }
0xa5: {  	v1 =	vpop (erf);
	[tilespmem:$0x230] =	vst v2  }
0xa6: {  	v2 =	vpop (erf);
	[tilespmem:$0x240] =	vst v1  }
0xa7: {  	[tilespmem:$0x250] =	vst v2;
	v1 =	vpop (erf)  }
0xa8: {  	[tilespmem:$0x260] =	vst v1;
	v1 =	vpop (erf)  }
0xa9: {  	[tilespmem:$0x270] =	vst v1  }
0xaa: {  	_ =	swait.ge [sflag:s26], $0x4800  }
0xab: {  	[sflag:s26] =	ssyncset.done $0x0  }
0xac: {  	s31 =	simm.s32 $0x2C0;
	s10 =	sand.u32 $0x1C0, s29;
	[sflag:s26] =	ssyncadd.s32 $0xFFFFB800  }
0xad: {  	s0 =	sshrl.u32 s10, $0x2;
	v5 =	vld [tilespmem:s31+$0xFFFFFFC0]  }
0xae: {  	v2 =	vld [tilespmem:s0+$0x200]  }
0xaf: {  	v9 =	vld [tilespmem:s31+$0x30]  }
0xb0: {  	v7 =	vld [tilespmem:s31+$0x40]  }
0xb1: {  	v11 =	vld [tilespmem:s31+$0xFFFFFFE0]  }
0xb2: {  	v1 =	vld [tilespmem:s31+$0xFFFFFFF0]  }
0xb3: {  	v4 =	vmov s29;
	v3 =	vld [tilespmem:s31+$0x20]  }
0xb4: {  	v2 =	vperm.xlane v2, v4;
	v4 =	vld [tilespmem:s31+$0xFFFFFFD0]  }
0xb5: {  	v6 =	vld [tilespmem:s31+$0x10]  }
0xb6: {  	v10 =	vmul.f32 v5, v2;
	v5 =	vld [tilespmem:s31+$0x0]  }
0xb7: {  	v8 =	vmul.f32 v7, v2  }
0xb8: {  	s2 =	simm.s32 $0x2C0;
	s10 =	simm.s32 $0x1;
	s0 =	simm.s32 $0x0;
	v7 =	vmul.f32 v11, v2;
	v9 =	vmul.f32 v9, v2  }
.LBB2_5:
0xb9: {  	p0 =	sne.s32 s10, $0x7F;
	[tilespmem:s31+$0xFFFFFFC0] =	vst v10;
	v4 =	vmul.f32 v4, v2;
	v3 =	vmul.f32 v3, v2;
	s0 =	sadd.s32 $0x4, s0;
	s2 =	sadd.s32 $0x90, s2  }
0xba: {  	v10 =	vmul.f32 v1, v2;
	s3 =	smov.u32 s10;
	s10 =	sadd.s32 $0x1, s10;
	v1 =	vmul.f32 v6, v2;
	[tilespmem:s31+$0x40] =	vst v8  }
0xbb: {  	v2 =	vmul.f32 v5, v2;
	[tilespmem:s31+$0x30] =	vst v9  }
0xbc: {  	[tilespmem:s31+$0xFFFFFFE0] =	vst v7  }
0xbd: {  	[tilespmem:s31+$0x10] =	vst v1  }
0xbe: {  	[tilespmem:s31+$0x0] =	vst v2  }
0xbf: {  	v1 =	vld [tilespmem:s2+$0xFFFFFFF0];
	[tilespmem:s31+$0x20] =	vst v3  }
0xc0: {  	s4 =	sand.u32 $0x1C0, s0;
	v7 =	vld [tilespmem:s2+$0xFFFFFFC0];
	[tilespmem:s31+$0xFFFFFFF0] =	vst v10  }
0xc1: {  	s4 =	sshrl.u32 s4, $0x2;
	v9 =	vld [tilespmem:s2+$0x30];
	[tilespmem:s31+$0xFFFFFFD0] =	vst v4;
	s31 =	smov.u32 s2  }
0xc2: {  	v2 =	vld [tilespmem:s4+$0x200]  }
0xc3: {  	v8 =	vld [tilespmem:s2+$0x40]  }
0xc4: {  	v11 =	vld [tilespmem:s2+$0xFFFFFFE0]  }
0xc5: {  	v3 =	vld [tilespmem:s2+$0x20]  }
.Ltmp1:
0xc6: {  	v5 =	vmov s3;
	v4 =	vld [tilespmem:s2+$0xFFFFFFD0];
	(pc) =	sbr.rel @p0 .LBB2_5-.Ltmp1, $4  }
0xc7: {  	v2 =	vperm.xlane v2, v5;
	v6 =	vld [tilespmem:s2+$0x10]  }
0xc8: {  	v5 =	vld [tilespmem:s2+$0x0]  }
0xc9: {  	v10 =	vmul.f32 v7, v2;
	v8 =	vmul.f32 v8, v2  }
0xca: {  	v7 =	vmul.f32 v11, v2;
	v9 =	vmul.f32 v9, v2  }
0xcb: {  	[tilespmem:s31+$0xFFFFFFC0] =	vst v10  }
0xcc: {  	[tilespmem:s31+$0x40] =	vst v8  }
0xcd: {  	v3 =	vmul.f32 v3, v2;
	[tilespmem:s31+$0x30] =	vst v9  }
0xce: {  	v1 =	vmul.f32 v1, v2;
	[tilespmem:s31+$0xFFFFFFE0] =	vst v7  }
0xcf: {  	v6 =	vmul.f32 v6, v2;
	[tilespmem:s31+$0x20] =	vst v3  }
0xd0: {  	v5 =	vmul.f32 v5, v2;
	[tilespmem:s31+$0xFFFFFFF0] =	vst v1  }
0xd1: {  	s30 =	sadd.s32 $0x1, s30;
	v2 =	vmul.f32 v4, v2;
	[tilespmem:s31+$0x10] =	vst v6  }
0xd2: {  	p0 =	sne.s32 s30, $0x51;
	[tilespmem:s31+$0x0] =	vst v5  }
.Ltmp2:
0xd3: {  	[tilespmem:s31+$0xFFFFFFD0] =	vst v2;
	(pc) =	sbr.rel @p0 .LBB2_4-.Ltmp2, $4  }
0xd4: {  	[spmem:s13] =	stream.indirect.scatter.add.f32 [tilespmem:s23], [sflag:$0x4], $0x90, s21, s22, $0xb8;
	[tilespmem:$0x1D680] =	vst v63  }
0xd5: {  	_ =	swait.ge [sflag:s14], $0x4800  }
0xd6: {  	[sflag:s14] =	ssyncset.done $0x0  }
0xd7: {  	[sflag:s14] =	ssyncadd.s32 $0xFFFFB800  }
0xd8: {  	[bflag:$0x0] =	sbarrier.arrive $0xFFFF  }
0xd9: {  	s0 =	rddreg [dreg:$0xe]  }
0xda: {  	[tilespmem:s12], [sflag:$0x4] =	stream.linear.gather [spmem:s0], $0x2400, $0x38;
	[tilespmem:$0x1D680] =	vst v63  }
0xdb: {  	_ =	swait.ge [sflag:s14], $0x2400  }
0xdc: {  	[sflag:s14] =	ssyncset.done $0x0  }
0xdd: {  	s10 =	rddreg [dreg:$0x4];
	[sflag:s14] =	ssyncadd.s32 $0xFFFFDC00  }
0xde: {  	[hbm4b:s10+s1] =	stream.linear.scatter [tilespmem:s12], [sflag:$0x4], $0x2400, $0x38;
	[tilespmem:$0x1D680] =	vst v63  }
0xdf: {  	_ =	swait.ge [sflag:s14], $0x2400  }
0xe0: {  	[sflag:s14] =	ssyncset.done $0x0  }
0xe1: {  	s30 =	rddreg [dreg:$0x1a];
	[sflag:s14] =	ssyncadd.s32 $0xFFFFDC00  }
0xe2: {  	[tilespmem:s12], [sflag:$0x4] =	stream.linear.gather [spmem:s30], $0x2400, $0x38;
	[tilespmem:$0x1D680] =	vst v63  }
0xe3: {  	_ =	swait.ge [sflag:s14], $0x2400  }
0xe4: {  	[sflag:s14] =	ssyncset.done $0x0  }
0xe5: {  	s31 =	rddreg [dreg:$0x5];
	[sflag:s14] =	ssyncadd.s32 $0xFFFFDC00  }
0xe6: {  	[hbm4b:s31+s1] =	stream.linear.scatter [tilespmem:s12], [sflag:$0x4], $0x2400, $0x38;
	[tilespmem:$0x1D680] =	vst v63  }
0xe7: {  	_ =	swait.ge [sflag:s14], $0x2400  }
0xe8: {  	[sflag:s14] =	ssyncset.done $0x0  }
0xe9: {  	s2 =	rddreg [dreg:$0x1b];
	[sflag:s14] =	ssyncadd.s32 $0xFFFFDC00  }
0xea: {  	[tilespmem:s12], [sflag:$0x4] =	stream.linear.gather [spmem:s2], $0x2400, $0x38;
	[tilespmem:$0x1D680] =	vst v63  }
0xeb: {  	_ =	swait.ge [sflag:s14], $0x2400  }
0xec: {  	[sflag:s14] =	ssyncset.done $0x0  }
0xed: {  	s3 =	rddreg [dreg:$0x6];
	[sflag:s14] =	ssyncadd.s32 $0xFFFFDC00  }
0xee: {  	[hbm4b:s3+s1] =	stream.linear.scatter [tilespmem:s12], [sflag:$0x4], $0x2400, $0x38;
	[tilespmem:$0x1D680] =	vst v63  }
0xef: {  	_ =	swait.ge [sflag:s14], $0x2400  }
0xf0: {  	[sflag:s14] =	ssyncset.done $0x0  }
0xf1: {  	s4 =	rddreg [dreg:$0x1c];
	[sflag:s14] =	ssyncadd.s32 $0xFFFFDC00  }
0xf2: {  	[tilespmem:s12], [sflag:$0x4] =	stream.linear.gather [spmem:s4], $0x2400, $0x38;
	[tilespmem:$0x1D680] =	vst v63  }
0xf3: {  	_ =	swait.ge [sflag:s14], $0x2400  }
0xf4: {  	[sflag:s14] =	ssyncset.done $0x0  }
0xf5: {  	s10 =	rddreg [dreg:$0x7];
	[sflag:s14] =	ssyncadd.s32 $0xFFFFDC00  }
0xf6: {  	[hbm4b:s10+s1] =	stream.linear.scatter [tilespmem:s12], [sflag:$0x4], $0x2400, $0x38;
	[tilespmem:$0x1D680] =	vst v63  }
0xf7: {  	_ =	swait.ge [sflag:s14], $0x2400  }
0xf8: {  	[sflag:s14] =	ssyncset.done $0x0  }
0xf9: {  	s30 =	rddreg [dreg:$0x1d];
	[sflag:s14] =	ssyncadd.s32 $0xFFFFDC00  }
0xfa: {  	[tilespmem:s12], [sflag:$0x4] =	stream.linear.gather [spmem:s30], $0x2400, $0x38;
	[tilespmem:$0x1D680] =	vst v63  }
0xfb: {  	_ =	swait.ge [sflag:s14], $0x2400  }
0xfc: {  	[sflag:s14] =	ssyncset.done $0x0  }
0xfd: {  	s31 =	rddreg [dreg:$0x8];
	[sflag:s14] =	ssyncadd.s32 $0xFFFFDC00  }
0xfe: {  	[hbm4b:s31+s1] =	stream.linear.scatter [tilespmem:s12], [sflag:$0x4], $0x2400, $0x38;
	[tilespmem:$0x1D680] =	vst v63  }
0xff: {  	_ =	swait.ge [sflag:s14], $0x2400  }
0x100: {  	[sflag:s14] =	ssyncset.done $0x0  }
0x101: {  	[sflag:s14] =	ssyncadd.s32 $0xFFFFDC00  }
0x102: {  	[tilespmem:s12], [sflag:$0x4] =	stream.linear.gather [spmem:s5], $0x2400, $0x38;
	[tilespmem:$0x1D680] =	vst v63  }
0x103: {  	_ =	swait.ge [sflag:s14], $0x2400  }
0x104: {  	[sflag:s14] =	ssyncset.done $0x0  }
0x105: {  	s2 =	rddreg [dreg:$0x9];
	[sflag:s14] =	ssyncadd.s32 $0xFFFFDC00  }
0x106: {  	[hbm4b:s2+s1] =	stream.linear.scatter [tilespmem:s12], [sflag:$0x4], $0x2400, $0x38;
	[tilespmem:$0x1D680] =	vst v63  }
0x107: {  	_ =	swait.ge [sflag:s14], $0x2400  }
0x108: {  	[sflag:s14] =	ssyncset.done $0x0  }
0x109: {  	[sflag:s14] =	ssyncadd.s32 $0xFFFFDC00  }
0x10a: {  	[tilespmem:s12], [sflag:$0x4] =	stream.linear.gather [spmem:s6], $0x2400, $0x38;
	[tilespmem:$0x1D680] =	vst v63  }
0x10b: {  	_ =	swait.ge [sflag:s14], $0x2400  }
0x10c: {  	[sflag:s14] =	ssyncset.done $0x0  }
0x10d: {  	s3 =	rddreg [dreg:$0xa];
	[sflag:s14] =	ssyncadd.s32 $0xFFFFDC00  }
0x10e: {  	[hbm4b:s3+s1] =	stream.linear.scatter [tilespmem:s12], [sflag:$0x4], $0x2400, $0x38;
	[tilespmem:$0x1D680] =	vst v63  }
0x10f: {  	_ =	swait.ge [sflag:s14], $0x2400  }
0x110: {  	[sflag:s14] =	ssyncset.done $0x0  }
0x111: {  	[sflag:s14] =	ssyncadd.s32 $0xFFFFDC00  }
0x112: {  	[tilespmem:s12], [sflag:$0x4] =	stream.linear.gather [spmem:s7], $0x2400, $0x38;
	[tilespmem:$0x1D680] =	vst v63  }
0x113: {  	_ =	swait.ge [sflag:s14], $0x2400  }
0x114: {  	[sflag:s14] =	ssyncset.done $0x0  }
0x115: {  	s4 =	rddreg [dreg:$0xb];
	[sflag:s14] =	ssyncadd.s32 $0xFFFFDC00  }
0x116: {  	[hbm4b:s4+s1] =	stream.linear.scatter [tilespmem:s12], [sflag:$0x4], $0x2400, $0x38;
	[tilespmem:$0x1D680] =	vst v63  }
0x117: {  	_ =	swait.ge [sflag:s14], $0x2400  }
0x118: {  	[sflag:s14] =	ssyncset.done $0x0  }
0x119: {  	[sflag:s14] =	ssyncadd.s32 $0xFFFFDC00  }
0x11a: {  	[tilespmem:s12], [sflag:$0x4] =	stream.linear.gather [spmem:s8], $0x2400, $0x38;
	[tilespmem:$0x1D680] =	vst v63  }
0x11b: {  	_ =	swait.ge [sflag:s14], $0x2400  }
0x11c: {  	[sflag:s14] =	ssyncset.done $0x0  }
0x11d: {  	s10 =	rddreg [dreg:$0xc];
	[sflag:s14] =	ssyncadd.s32 $0xFFFFDC00  }
0x11e: {  	[hbm4b:s10+s1] =	stream.linear.scatter [tilespmem:s12], [sflag:$0x4], $0x2400, $0x38;
	[tilespmem:$0x1D680] =	vst v63  }
0x11f: {  	_ =	swait.ge [sflag:s14], $0x2400  }
0x120: {  	[sflag:s14] =	ssyncset.done $0x0  }
0x121: {  	[sflag:s14] =	ssyncadd.s32 $0xFFFFDC00  }
0x122: {  	[tilespmem:s12], [sflag:$0x4] =	stream.linear.gather [spmem:s9], $0x2400, $0x38;
	[tilespmem:$0x1D680] =	vst v63  }
0x123: {  	_ =	swait.ge [sflag:s14], $0x2400  }
0x124: {  	[sflag:s14] =	ssyncset.done $0x0  }
0x125: {  	s30 =	rddreg [dreg:$0xd];
	[sflag:s14] =	ssyncadd.s32 $0xFFFFDC00  }
0x126: {  	[hbm4b:s30+s1] =	stream.linear.scatter [tilespmem:s12], [sflag:$0x4], $0x2400, $0x38;
	[tilespmem:$0x1D680] =	vst v63  }
0x127: {  	_ =	swait.ge [sflag:s14], $0x2400  }
0x128: {  	s28 =	sadd.s32 $0x1, s28;
	s31 =	rddreg [dreg:$0xf]  }
0x129: {  	p0 =	sne.s32 s28, s31  }
.Ltmp3:
0x12a: {  	_ = 	snop;
	(pc) =	sbr.rel @p0 .LBB2_1-.Ltmp3, $3  }
0x12b: {  	_ =	sdelay $0x1  }
0x12c: {  	[sflag:s14] =	ssyncset.done $0x0  }
0x12d: {  	[sflag:s14] =	ssyncadd.s32 $0xFFFFDC00  }
0x12e: {  	_ =	sfence.sel $0x180000  }
0x12f: {  	[bflag:$0x0] =	sbarrier.arrive $0xFFFF  }
0x130: {  	_ =	strace $0x90000047  }
0x131: {  	s0 =	stileid.u32;
	[bflag:$0x2] =	sbarrier.arrive $0xFFFF  }
0x132: {  	p0 =	sne.s32 s0, $0x0;
	s0 =	rddreg [dreg:$0x3]  }
0x133: {  	s0 =	sadd.s32 @!p0 $0x100000, s0  }
0x134: {  	[sflag:s0] =	ssyncadd.tile.s32 @!p0 $0x1;
	_ =	shalt  }
.Lfunc_end2:
_tile_overlayer_lowered:
.L_overlay_start_2:
0x135: {  	(tag) =	ssettag $0x2  }
0x136: {  	s0 =	rddreg [dreg:$0x0];
	s2 =	stileid.u32  }
0x137: {  	s1 =	rddreg [dreg:$0x1];
	p0 =	sne.s32 s2, $0x0  }
0x138: {  	s3 =	rddreg [dreg:$0x2];
	[bflag:$0x3] =	sbarrier.arrive $0xFFFF;
	s2 =	simm.s32 @!p0 $0x1C04  }
0x139: {  	[timem:s3], [sflag:s2] =	dma.local @!p0 [hbm:s0], s1  }
0x13a: {  	s0 =	simm.s32 @!p0 $0x4  }
0x13b: {  	_ =	swait.ge @!p0 [sflag:s0], s1  }
0x13c: {  	s1 =	ssub.s32 @!p0 $0x0, s1;
	[sflag:s0] =	ssyncset.done @!p0 $0x0  }
0x13d: {  	[sflag:s0] =	ssyncadd.s32 @!p0 s1  }
0x13e: {  	[bflag:$0x3] =	sbarrier.arrive $0xFFFF  }
0x13f: {  	_ =	shalt  }

</sc_bundles>
